<compile_context>
chip_gen: v7x
topology: tpu7x:2x2x1
jax: 0.10.2.dev20260603
libtpu: 0.0.44.dev20260713+nightly
codegen_flags: <defaults>
</compile_context>

<pallas_src>
import functools

import jax
import jax.numpy as jnp
from jax import lax
from jax.experimental import pallas as pl
from jax.experimental.pallas import tpu as pltpu
from jax.experimental.pallas import tpu_sc as plsc

_PLACEHOLDER_ID = 12345
_NW = 32
_L = 16


def kernel(tokenized_text, embedded_text, placeholder_emb):
    B, S, D = embedded_text.shape
    N = B * S
    per_w = N // _NW
    ngroups = per_w // _L
    tok = tokenized_text.reshape(N).astype(jnp.int32)
    mesh = plsc.VectorSubcoreMesh(core_axis_name="c", subcore_axis_name="s")

    @functools.partial(
        pl.kernel,
        out_type=(),
        mesh=mesh,
        compiler_params=pltpu.CompilerParams(needs_layout_passes=False),
        scratch_types=[
            pltpu.VMEM((per_w,), jnp.int32),
            pltpu.VMEM((D,), jnp.float32),
        ],
    )
    def run(tok_hbm, ph_hbm, buf, tok_v, ph_v):
        wid = lax.axis_index("s") * 2 + lax.axis_index("c")
        base = wid * per_w
        pltpu.sync_copy(tok_hbm.at[pl.ds(base, per_w)], tok_v)
        pltpu.sync_copy(ph_hbm, ph_v)
        lanes = lax.iota(jnp.int32, _L)

        def group(g, _):
            tokv = tok_v[pl.ds(g * _L, _L)]
            m0 = tokv == _PLACEHOLDER_ID
            cnt = plsc.all_reduce_population_count(m0)
            cnt_s = lax.reduce_max(cnt, (0,))

            @pl.when(cnt_s > 0)
            def _scatter():
                for l in range(_L):
                    t_l = lax.reduce_max(
                        jnp.where(lanes == l, tokv, jnp.int32(0)), (0,)
                    )

                    @pl.when(t_l == _PLACEHOLDER_ID)
                    def _one():
                        row = base + g * _L + l
                        b = row // S
                        s = row - b * S
                        pltpu.sync_copy(ph_v, buf.at[b, s])

            return _

        lax.fori_loop(0, ngroups, group, None)

    buf = jax.new_ref(embedded_text)
    run(tok, placeholder_emb, buf)
    return jax.freeze(buf)

# --- scband reference (transcript-rebuilt; emitter-appended) ---
"""Pipeline reference for scband-embedding-manager-72241349918996 (READ-ONLY COPY).

The authoritative reference and input builder live on the scoring server;
editing this copy changes nothing except your own understanding.
"""

import jax, jax.numpy as jnp
import numpy as np

PLACEHOLDER_ID = 12345  # token id of the learnable placeholder string


def setup_inputs(seed: int = 0) -> dict:
    key = jax.random.key(seed)
    k1, k2, k3 = jax.random.split(key, 3)
    B, S, D = 1024, 77, 768
    tokenized_text = jax.random.randint(k1, (B, S), 0, 49408, dtype=jnp.int64)
    embedded_text = jax.random.normal(k2, (B, S, D), dtype=jnp.float32)
    # learned static embedding for the placeholder token (num_vectors_per_token=1)
    placeholder_emb = jax.random.normal(k3, (D,), dtype=jnp.float32) * 0.02
    return {"tokenized_text": tokenized_text, "embedded_text": embedded_text, "placeholder_emb": placeholder_emb}


def reference(tokenized_text, embedded_text, placeholder_emb):
    # EmbeddingManager.forward(tokenized_text, embedded_text):
    # find occurrences of the placeholder token in the tokenized prompts and
    # overwrite the corresponding rows of the pre-computed text embeddings
    # with the learned placeholder embedding (scatter-overwrite by mask).
    mask = (tokenized_text == PLACEHOLDER_ID)[..., None]  # [B, S, 1]
    out = jnp.where(mask, placeholder_emb[None, None, :], embedded_text)
    return out

if __name__ == "__main__":
    import jax
    _d = setup_inputs()
    print(jax.jit(kernel)(*tuple(_d.values())))

</pallas_src>

<mosaic_0001>
#map = affine_map<(d0, d1) -> (0)>
#map1 = affine_map<(d0, d1) -> (0, 0, 0)>
module attributes {stable_mosaic.version = 14 : i64} {
  func.func @new_body(%arg0: i32, %arg1: i32, %arg2: memref<78848xi32, #tpu.memory_space<hbm>>, %arg3: memref<768xf32, #tpu.memory_space<hbm>>, %arg4: memref<1024x77x768xf32, #tpu.memory_space<hbm>>, %arg5: memref<1024x77x768xf32, #tpu.memory_space<hbm>>, %arg6: memref<2464xi32, #tpu.memory_space<vmem>>, %arg7: memref<768xf32, #tpu.memory_space<vmem>>) attributes {dimension_semantics = [#tpu.dimension_semantics<core_parallel>, #tpu.dimension_semantics<subcore_parallel>], iteration_bounds = array<i64: 2, 16>, scalar_prefetch = 0 : i64, scratch_operands = 2 : i64, tpu.core_type = #tpu.core_type<sc_vector_subcore>, window_params = [{transform_indices = #map}, {transform_indices = #map}, {transform_indices = #map1}, {transform_indices = #map1}]} {
    %mul3A = arith.constant 2 : i32
    %mul3A_0 = arith.muli %arg1, %mul3A : i32
    %add3A = arith.addi %mul3A_0, %arg0 : i32
    %mul3A_1 = arith.constant 2464 : i32
    %mul3A_2 = arith.muli %add3A, %mul3A_1 : i32
    "tpu.region"() ({
      %run_scoped3A = tpu.sem_alloc : memref<!tpu.dma_semaphore, #tpu.memory_space<semaphore_mem>>
      %dma_start3A = tpu.memref_slice %arg2[%mul3A_2] : memref<78848xi32, #tpu.memory_space<hbm>> -> memref<2464xi32, #tpu.memory_space<hbm>>
      %dma_start3A_7 = tpu.memref_slice %arg2[%mul3A_2] : memref<78848xi32, #tpu.memory_space<hbm>> -> memref<2464xi32, #tpu.memory_space<hbm>>
      tpu.enqueue_dma source(%dma_start3A_7 : memref<2464xi32, #tpu.memory_space<hbm>>) target(%arg6 : memref<2464xi32, #tpu.memory_space<vmem>>) target_semaphore(%run_scoped3A : memref<!tpu.dma_semaphore, #tpu.memory_space<semaphore_mem>>)
      %dma_wait3A = tpu.memref_slice %arg2[%mul3A_2] : memref<78848xi32, #tpu.memory_space<hbm>> -> memref<2464xi32, #tpu.memory_space<hbm>>
      %dma_wait3A_8 = tpu.memref_slice %arg2[%mul3A_2] : memref<78848xi32, #tpu.memory_space<hbm>> -> memref<2464xi32, #tpu.memory_space<hbm>>
      tpu.wait_dma2 semaphore(%run_scoped3A : memref<!tpu.dma_semaphore, #tpu.memory_space<semaphore_mem>>) src(%dma_wait3A_8 : memref<2464xi32, #tpu.memory_space<hbm>>) dst(%arg6 : memref<2464xi32, #tpu.memory_space<vmem>>)
      tpu.yield
    }) : () -> ()
    "tpu.region"() ({
      %run_scoped3A = tpu.sem_alloc : memref<!tpu.dma_semaphore, #tpu.memory_space<semaphore_mem>>
      tpu.enqueue_dma source(%arg3 : memref<768xf32, #tpu.memory_space<hbm>>) target(%arg7 : memref<768xf32, #tpu.memory_space<vmem>>) target_semaphore(%run_scoped3A : memref<!tpu.dma_semaphore, #tpu.memory_space<semaphore_mem>>)
      tpu.wait_dma2 semaphore(%run_scoped3A : memref<!tpu.dma_semaphore, #tpu.memory_space<semaphore_mem>>) src(%arg3 : memref<768xf32, #tpu.memory_space<hbm>>) dst(%arg7 : memref<768xf32, #tpu.memory_space<vmem>>)
      tpu.yield
    }) : () -> ()
    %iota3A = tpu.iota {dimensions = array<i32: 0>} : vector<16xi32>
    %scan3A = arith.constant 0 : i32
    %scan3A_3 = arith.constant 154 : i32
    %scan3A_4 = arith.addi %scan3A, %scan3A_3 : i32
    %scan3A_5 = arith.constant 1 : i32
    scf.for %scan3A_7 = %scan3A to %scan3A_4 step %scan3A_5  : i32 {
      %mul3A_8 = arith.constant 16 : i32
      %mul3A_9 = arith.muli %scan3A_7, %mul3A_8 : i32
      %get3A = arith.index_cast %mul3A_9 : i32 to index
      %get3A_10 = tpu.vector_load %arg6[%get3A] {strides = array<i32>} : memref<2464xi32, #tpu.memory_space<vmem>>, vector<16xi32>,
      %eq3A = arith.constant 12345 : i32
      %eq3A_11 = vector.broadcast %eq3A : i32 to vector<16xi32>
      %eq3A_12 = arith.cmpi eq, %get3A_10, %eq3A_11 : vector<16xi32>
      %all_reduce_population_count3A = tpu.all_reduce %eq3A_12 {dim = 0 : i64, kind = #tpu.reduction_kind<sum>} : vector<16xi1> -> vector<16xi32>
      %reduce_max3A = arith.constant true
      %reduce_max3A_13 = vector.broadcast %reduce_max3A : i1 to vector<16xi1>
      %reduce_max3A_14 = arith.constant -2147483648 : i32
      %reduce_max3A_15 = vector.broadcast %reduce_max3A_14 : i32 to vector<16xi32>
      %reduce_max3A_16 = arith.xori %all_reduce_population_count3A, %reduce_max3A_15 : vector<16xi32>
      %reduce_max3A_17 = tpu.scan <max>, %reduce_max3A_16 masked %reduce_max3A_13 : vector<16xi32>, vector<16xi1> -> vector<16xi32>
      %reduce_max3A_18 = arith.xori %reduce_max3A_17, %reduce_max3A_15 : vector<16xi32>
      %reduce_max3A_19 = vector.extract %reduce_max3A_18[15] : i32 from vector<16xi32>
      %gt3A = arith.constant 0 : i32
      %gt3A_20 = arith.cmpi sgt, %reduce_max3A_19, %gt3A : i32
      %convert_element_type3A = arith.extui %gt3A_20 : i1 to i32
      %cond3A = arith.constant 0 : i32
      %cond3A_21 = arith.cmpi ne, %convert_element_type3A, %cond3A : i32
      scf.if %cond3A_21 {
        %eq3A_22 = arith.constant 0 : i32
        %eq3A_23 = vector.broadcast %eq3A_22 : i32 to vector<16xi32>
        %eq3A_24 = arith.cmpi eq, %iota3A, %eq3A_23 : vector<16xi32>
        %jit3A = arith.constant 0 : i32
        %broadcast_in_dim3A = vector.broadcast %jit3A : i32 to vector<16xi32>
        %select_n3A = arith.select %eq3A_24, %get3A_10, %broadcast_in_dim3A : vector<16xi1>, vector<16xi32>
        %reduce_max3A_25 = arith.constant true
        %reduce_max3A_26 = vector.broadcast %reduce_max3A_25 : i1 to vector<16xi1>
        %reduce_max3A_27 = arith.constant -2147483648 : i32
        %reduce_max3A_28 = vector.broadcast %reduce_max3A_27 : i32 to vector<16xi32>
        %reduce_max3A_29 = arith.xori %select_n3A, %reduce_max3A_28 : vector<16xi32>
        %reduce_max3A_30 = tpu.scan <max>, %reduce_max3A_29 masked %reduce_max3A_26 : vector<16xi32>, vector<16xi1> -> vector<16xi32>
        %reduce_max3A_31 = arith.xori %reduce_max3A_30, %reduce_max3A_28 : vector<16xi32>
        %reduce_max3A_32 = vector.extract %reduce_max3A_31[15] : i32 from vector<16xi32>
        %eq3A_33 = arith.constant 12345 : i32
        %eq3A_34 = arith.cmpi eq, %reduce_max3A_32, %eq3A_33 : i32
        %convert_element_type3A_35 = arith.extui %eq3A_34 : i1 to i32
        %cond3A_36 = arith.constant 0 : i32
        %cond3A_37 = arith.cmpi ne, %convert_element_type3A_35, %cond3A_36 : i32
        scf.if %cond3A_37 {
          %mul3A_323 = arith.constant 16 : i32
          %mul3A_324 = arith.muli %scan3A_7, %mul3A_323 : i32
          %add3A_325 = arith.addi %mul3A_2, %mul3A_324 : i32
          %add3A_326 = arith.constant 0 : i32
          %add3A_327 = arith.addi %add3A_325, %add3A_326 : i32
          %jit3A_328 = arith.constant 77 : i32
          %div3A = arith.divsi %add3A_327, %jit3A_328 : i32
          %sign3A = arith.constant 0 : i32
          %sign3A_329 = arith.cmpi sgt, %add3A_327, %sign3A : i32
          %sign3A_330 = arith.extui %sign3A_329 : i1 to i32
          %sign3A_331 = arith.constant 0 : i32
          %sign3A_332 = arith.cmpi slt, %add3A_327, %sign3A_331 : i32
          %sign3A_333 = arith.extui %sign3A_332 : i1 to i32
          %sign3A_334 = arith.subi %sign3A_330, %sign3A_333 : i32
          %sign3A_335 = arith.constant 0 : i32
          %sign3A_336 = arith.cmpi sgt, %jit3A_328, %sign3A_335 : i32
          %sign3A_337 = arith.extui %sign3A_336 : i1 to i32
          %sign3A_338 = arith.constant 0 : i32
          %sign3A_339 = arith.cmpi slt, %jit3A_328, %sign3A_338 : i32
          %sign3A_340 = arith.extui %sign3A_339 : i1 to i32
          %sign3A_341 = arith.subi %sign3A_337, %sign3A_340 : i32
          %ne3A = arith.cmpi ne, %sign3A_334, %sign3A_341 : i32
          %rem3A = arith.remsi %add3A_327, %jit3A_328 : i32
          %ne3A_342 = arith.constant 0 : i32
          %ne3A_343 = arith.cmpi ne, %rem3A, %ne3A_342 : i32
          %and3A = arith.andi %ne3A, %ne3A_343 : i1
          %sub3A = arith.constant 1 : i32
          %sub3A_344 = arith.subi %div3A, %sub3A : i32
          %select_n3A_345 = arith.select %and3A, %sub3A_344, %div3A : i32
          %mul3A_346 = arith.constant 77 : i32
          %mul3A_347 = arith.muli %select_n3A_345, %mul3A_346 : i32
          %sub3A_348 = arith.subi %add3A_327, %mul3A_347 : i32
          "tpu.region"() ({
            %run_scoped3A = tpu.sem_alloc : memref<!tpu.dma_semaphore, #tpu.memory_space<semaphore_mem>>
            %dma_start3A = arith.constant 0 : i32
            %dma_start3A_349 = tpu.memref_slice %arg4[%select_n3A_345, %sub3A_348, %dma_start3A] : memref<1024x77x768xf32, #tpu.memory_space<hbm>> -> memref<1x1x768xf32, #tpu.memory_space<hbm>>
            %dma_start3A_350 = tpu.memref_squeeze %dma_start3A_349 : memref<1x1x768xf32, #tpu.memory_space<hbm>> -> memref<768xf32, #tpu.memory_space<hbm>>
            %dma_start3A_351 = arith.constant 0 : i32
            %dma_start3A_352 = tpu.memref_slice %arg4[%select_n3A_345, %sub3A_348, %dma_start3A_351] : memref<1024x77x768xf32, #tpu.memory_space<hbm>> -> memref<1x1x768xf32, #tpu.memory_space<hbm>>
            %dma_start3A_353 = tpu.memref_squeeze %dma_start3A_352 : memref<1x1x768xf32, #tpu.memory_space<hbm>> -> memref<768xf32, #tpu.memory_space<hbm>>
            tpu.enqueue_dma source(%arg7 : memref<768xf32, #tpu.memory_space<vmem>>) target(%dma_start3A_353 : memref<768xf32, #tpu.memory_space<hbm>>) target_semaphore(%run_scoped3A : memref<!tpu.dma_semaphore, #tpu.memory_space<semaphore_mem>>)
            %dma_wait3A = arith.constant 0 : i32
            %dma_wait3A_354 = tpu.memref_slice %arg4[%select_n3A_345, %sub3A_348, %dma_wait3A] : memref<1024x77x768xf32, #tpu.memory_space<hbm>> -> memref<1x1x768xf32, #tpu.memory_space<hbm>>
            %dma_wait3A_355 = tpu.memref_squeeze %dma_wait3A_354 : memref<1x1x768xf32, #tpu.memory_space<hbm>> -> memref<768xf32, #tpu.memory_space<hbm>>
            %dma_wait3A_356 = arith.constant 0 : i32
            %dma_wait3A_357 = tpu.memref_slice %arg4[%select_n3A_345, %sub3A_348, %dma_wait3A_356] : memref<1024x77x768xf32, #tpu.memory_space<hbm>> -> memref<1x1x768xf32, #tpu.memory_space<hbm>>
            %dma_wait3A_358 = tpu.memref_squeeze %dma_wait3A_357 : memref<1x1x768xf32, #tpu.memory_space<hbm>> -> memref<768xf32, #tpu.memory_space<hbm>>
            tpu.wait_dma2 semaphore(%run_scoped3A : memref<!tpu.dma_semaphore, #tpu.memory_space<semaphore_mem>>) src(%arg7 : memref<768xf32, #tpu.memory_space<vmem>>) dst(%dma_wait3A_358 : memref<768xf32, #tpu.memory_space<hbm>>)
            tpu.yield
          }) : () -> ()
        } else {
        }
        %eq3A_38 = arith.constant 1 : i32
        %eq3A_39 = vector.broadcast %eq3A_38 : i32 to vector<16xi32>
        %eq3A_40 = arith.cmpi eq, %iota3A, %eq3A_39 : vector<16xi32>
        %jit3A_41 = arith.constant 0 : i32
        %broadcast_in_dim3A_42 = vector.broadcast %jit3A_41 : i32 to vector<16xi32>
        %select_n3A_43 = arith.select %eq3A_40, %get3A_10, %broadcast_in_dim3A_42 : vector<16xi1>, vector<16xi32>
        %reduce_max3A_44 = arith.constant true
        %reduce_max3A_45 = vector.broadcast %reduce_max3A_44 : i1 to vector<16xi1>
        %reduce_max3A_46 = arith.constant -2147483648 : i32
        %reduce_max3A_47 = vector.broadcast %reduce_max3A_46 : i32 to vector<16xi32>
        %reduce_max3A_48 = arith.xori %select_n3A_43, %reduce_max3A_47 : vector<16xi32>
        %reduce_max3A_49 = tpu.scan <max>, %reduce_max3A_48 masked %reduce_max3A_45 : vector<16xi32>, vector<16xi1> -> vector<16xi32>
        %reduce_max3A_50 = arith.xori %reduce_max3A_49, %reduce_max3A_47 : vector<16xi32>
        %reduce_max3A_51 = vector.extract %reduce_max3A_50[15] : i32 from vector<16xi32>
        %eq3A_52 = arith.constant 12345 : i32
        %eq3A_53 = arith.cmpi eq, %reduce_max3A_51, %eq3A_52 : i32
        %convert_element_type3A_54 = arith.extui %eq3A_53 : i1 to i32
        %cond3A_55 = arith.constant 0 : i32
        %cond3A_56 = arith.cmpi ne, %convert_element_type3A_54, %cond3A_55 : i32
        scf.if %cond3A_56 {
          %mul3A_323 = arith.constant 16 : i32
          %mul3A_324 = arith.muli %scan3A_7, %mul3A_323 : i32
          %add3A_325 = arith.addi %mul3A_2, %mul3A_324 : i32
          %add3A_326 = arith.constant 1 : i32
          %add3A_327 = arith.addi %add3A_325, %add3A_326 : i32
          %jit3A_328 = arith.constant 77 : i32
          %div3A = arith.divsi %add3A_327, %jit3A_328 : i32
          %sign3A = arith.constant 0 : i32
          %sign3A_329 = arith.cmpi sgt, %add3A_327, %sign3A : i32
          %sign3A_330 = arith.extui %sign3A_329 : i1 to i32
          %sign3A_331 = arith.constant 0 : i32
          %sign3A_332 = arith.cmpi slt, %add3A_327, %sign3A_331 : i32
          %sign3A_333 = arith.extui %sign3A_332 : i1 to i32
          %sign3A_334 = arith.subi %sign3A_330, %sign3A_333 : i32
          %sign3A_335 = arith.constant 0 : i32
          %sign3A_336 = arith.cmpi sgt, %jit3A_328, %sign3A_335 : i32
          %sign3A_337 = arith.extui %sign3A_336 : i1 to i32
          %sign3A_338 = arith.constant 0 : i32
          %sign3A_339 = arith.cmpi slt, %jit3A_328, %sign3A_338 : i32
          %sign3A_340 = arith.extui %sign3A_339 : i1 to i32
          %sign3A_341 = arith.subi %sign3A_337, %sign3A_340 : i32
          %ne3A = arith.cmpi ne, %sign3A_334, %sign3A_341 : i32
          %rem3A = arith.remsi %add3A_327, %jit3A_328 : i32
          %ne3A_342 = arith.constant 0 : i32
          %ne3A_343 = arith.cmpi ne, %rem3A, %ne3A_342 : i32
          %and3A = arith.andi %ne3A, %ne3A_343 : i1
          %sub3A = arith.constant 1 : i32
          %sub3A_344 = arith.subi %div3A, %sub3A : i32
          %select_n3A_345 = arith.select %and3A, %sub3A_344, %div3A : i32
          %mul3A_346 = arith.constant 77 : i32
          %mul3A_347 = arith.muli %select_n3A_345, %mul3A_346 : i32
          %sub3A_348 = arith.subi %add3A_327, %mul3A_347 : i32
          "tpu.region"() ({
            %run_scoped3A = tpu.sem_alloc : memref<!tpu.dma_semaphore, #tpu.memory_space<semaphore_mem>>
            %dma_start3A = arith.constant 0 : i32
            %dma_start3A_349 = tpu.memref_slice %arg4[%select_n3A_345, %sub3A_348, %dma_start3A] : memref<1024x77x768xf32, #tpu.memory_space<hbm>> -> memref<1x1x768xf32, #tpu.memory_space<hbm>>
            %dma_start3A_350 = tpu.memref_squeeze %dma_start3A_349 : memref<1x1x768xf32, #tpu.memory_space<hbm>> -> memref<768xf32, #tpu.memory_space<hbm>>
            %dma_start3A_351 = arith.constant 0 : i32
            %dma_start3A_352 = tpu.memref_slice %arg4[%select_n3A_345, %sub3A_348, %dma_start3A_351] : memref<1024x77x768xf32, #tpu.memory_space<hbm>> -> memref<1x1x768xf32, #tpu.memory_space<hbm>>
            %dma_start3A_353 = tpu.memref_squeeze %dma_start3A_352 : memref<1x1x768xf32, #tpu.memory_space<hbm>> -> memref<768xf32, #tpu.memory_space<hbm>>
            tpu.enqueue_dma source(%arg7 : memref<768xf32, #tpu.memory_space<vmem>>) target(%dma_start3A_353 : memref<768xf32, #tpu.memory_space<hbm>>) target_semaphore(%run_scoped3A : memref<!tpu.dma_semaphore, #tpu.memory_space<semaphore_mem>>)
            %dma_wait3A = arith.constant 0 : i32
            %dma_wait3A_354 = tpu.memref_slice %arg4[%select_n3A_345, %sub3A_348, %dma_wait3A] : memref<1024x77x768xf32, #tpu.memory_space<hbm>> -> memref<1x1x768xf32, #tpu.memory_space<hbm>>
            %dma_wait3A_355 = tpu.memref_squeeze %dma_wait3A_354 : memref<1x1x768xf32, #tpu.memory_space<hbm>> -> memref<768xf32, #tpu.memory_space<hbm>>
            %dma_wait3A_356 = arith.constant 0 : i32
            %dma_wait3A_357 = tpu.memref_slice %arg4[%select_n3A_345, %sub3A_348, %dma_wait3A_356] : memref<1024x77x768xf32, #tpu.memory_space<hbm>> -> memref<1x1x768xf32, #tpu.memory_space<hbm>>
            %dma_wait3A_358 = tpu.memref_squeeze %dma_wait3A_357 : memref<1x1x768xf32, #tpu.memory_space<hbm>> -> memref<768xf32, #tpu.memory_space<hbm>>
            tpu.wait_dma2 semaphore(%run_scoped3A : memref<!tpu.dma_semaphore, #tpu.memory_space<semaphore_mem>>) src(%arg7 : memref<768xf32, #tpu.memory_space<vmem>>) dst(%dma_wait3A_358 : memref<768xf32, #tpu.memory_space<hbm>>)
            tpu.yield
          }) : () -> ()
        } else {
        }
        %eq3A_57 = arith.constant 2 : i32
        %eq3A_58 = vector.broadcast %eq3A_57 : i32 to vector<16xi32>
        %eq3A_59 = arith.cmpi eq, %iota3A, %eq3A_58 : vector<16xi32>
        %jit3A_60 = arith.constant 0 : i32
        %broadcast_in_dim3A_61 = vector.broadcast %jit3A_60 : i32 to vector<16xi32>
        %select_n3A_62 = arith.select %eq3A_59, %get3A_10, %broadcast_in_dim3A_61 : vector<16xi1>, vector<16xi32>
        %reduce_max3A_63 = arith.constant true
        %reduce_max3A_64 = vector.broadcast %reduce_max3A_63 : i1 to vector<16xi1>
        %reduce_max3A_65 = arith.constant -2147483648 : i32
        %reduce_max3A_66 = vector.broadcast %reduce_max3A_65 : i32 to vector<16xi32>
        %reduce_max3A_67 = arith.xori %select_n3A_62, %reduce_max3A_66 : vector<16xi32>
        %reduce_max3A_68 = tpu.scan <max>, %reduce_max3A_67 masked %reduce_max3A_64 : vector<16xi32>, vector<16xi1> -> vector<16xi32>
        %reduce_max3A_69 = arith.xori %reduce_max3A_68, %reduce_max3A_66 : vector<16xi32>
        %reduce_max3A_70 = vector.extract %reduce_max3A_69[15] : i32 from vector<16xi32>
        %eq3A_71 = arith.constant 12345 : i32
        %eq3A_72 = arith.cmpi eq, %reduce_max3A_70, %eq3A_71 : i32
        %convert_element_type3A_73 = arith.extui %eq3A_72 : i1 to i32
        %cond3A_74 = arith.constant 0 : i32
        %cond3A_75 = arith.cmpi ne, %convert_element_type3A_73, %cond3A_74 : i32
        scf.if %cond3A_75 {
          %mul3A_323 = arith.constant 16 : i32
          %mul3A_324 = arith.muli %scan3A_7, %mul3A_323 : i32
          %add3A_325 = arith.addi %mul3A_2, %mul3A_324 : i32
          %add3A_326 = arith.constant 2 : i32
          %add3A_327 = arith.addi %add3A_325, %add3A_326 : i32
          %jit3A_328 = arith.constant 77 : i32
          %div3A = arith.divsi %add3A_327, %jit3A_328 : i32
          %sign3A = arith.constant 0 : i32
          %sign3A_329 = arith.cmpi sgt, %add3A_327, %sign3A : i32
          %sign3A_330 = arith.extui %sign3A_329 : i1 to i32
          %sign3A_331 = arith.constant 0 : i32
          %sign3A_332 = arith.cmpi slt, %add3A_327, %sign3A_331 : i32
          %sign3A_333 = arith.extui %sign3A_332 : i1 to i32
          %sign3A_334 = arith.subi %sign3A_330, %sign3A_333 : i32
          %sign3A_335 = arith.constant 0 : i32
          %sign3A_336 = arith.cmpi sgt, %jit3A_328, %sign3A_335 : i32
          %sign3A_337 = arith.extui %sign3A_336 : i1 to i32
          %sign3A_338 = arith.constant 0 : i32
          %sign3A_339 = arith.cmpi slt, %jit3A_328, %sign3A_338 : i32
          %sign3A_340 = arith.extui %sign3A_339 : i1 to i32
          %sign3A_341 = arith.subi %sign3A_337, %sign3A_340 : i32
          %ne3A = arith.cmpi ne, %sign3A_334, %sign3A_341 : i32
          %rem3A = arith.remsi %add3A_327, %jit3A_328 : i32
          %ne3A_342 = arith.constant 0 : i32
          %ne3A_343 = arith.cmpi ne, %rem3A, %ne3A_342 : i32
          %and3A = arith.andi %ne3A, %ne3A_343 : i1
          %sub3A = arith.constant 1 : i32
          %sub3A_344 = arith.subi %div3A, %sub3A : i32
          %select_n3A_345 = arith.select %and3A, %sub3A_344, %div3A : i32
          %mul3A_346 = arith.constant 77 : i32
          %mul3A_347 = arith.muli %select_n3A_345, %mul3A_346 : i32
          %sub3A_348 = arith.subi %add3A_327, %mul3A_347 : i32
          "tpu.region"() ({
            %run_scoped3A = tpu.sem_alloc : memref<!tpu.dma_semaphore, #tpu.memory_space<semaphore_mem>>
            %dma_start3A = arith.constant 0 : i32
            %dma_start3A_349 = tpu.memref_slice %arg4[%select_n3A_345, %sub3A_348, %dma_start3A] : memref<1024x77x768xf32, #tpu.memory_space<hbm>> -> memref<1x1x768xf32, #tpu.memory_space<hbm>>
            %dma_start3A_350 = tpu.memref_squeeze %dma_start3A_349 : memref<1x1x768xf32, #tpu.memory_space<hbm>> -> memref<768xf32, #tpu.memory_space<hbm>>
            %dma_start3A_351 = arith.constant 0 : i32
            %dma_start3A_352 = tpu.memref_slice %arg4[%select_n3A_345, %sub3A_348, %dma_start3A_351] : memref<1024x77x768xf32, #tpu.memory_space<hbm>> -> memref<1x1x768xf32, #tpu.memory_space<hbm>>
            %dma_start3A_353 = tpu.memref_squeeze %dma_start3A_352 : memref<1x1x768xf32, #tpu.memory_space<hbm>> -> memref<768xf32, #tpu.memory_space<hbm>>
            tpu.enqueue_dma source(%arg7 : memref<768xf32, #tpu.memory_space<vmem>>) target(%dma_start3A_353 : memref<768xf32, #tpu.memory_space<hbm>>) target_semaphore(%run_scoped3A : memref<!tpu.dma_semaphore, #tpu.memory_space<semaphore_mem>>)
            %dma_wait3A = arith.constant 0 : i32
            %dma_wait3A_354 = tpu.memref_slice %arg4[%select_n3A_345, %sub3A_348, %dma_wait3A] : memref<1024x77x768xf32, #tpu.memory_space<hbm>> -> memref<1x1x768xf32, #tpu.memory_space<hbm>>
            %dma_wait3A_355 = tpu.memref_squeeze %dma_wait3A_354 : memref<1x1x768xf32, #tpu.memory_space<hbm>> -> memref<768xf32, #tpu.memory_space<hbm>>
            %dma_wait3A_356 = arith.constant 0 : i32
            %dma_wait3A_357 = tpu.memref_slice %arg4[%select_n3A_345, %sub3A_348, %dma_wait3A_356] : memref<1024x77x768xf32, #tpu.memory_space<hbm>> -> memref<1x1x768xf32, #tpu.memory_space<hbm>>
            %dma_wait3A_358 = tpu.memref_squeeze %dma_wait3A_357 : memref<1x1x768xf32, #tpu.memory_space<hbm>> -> memref<768xf32, #tpu.memory_space<hbm>>
            tpu.wait_dma2 semaphore(%run_scoped3A : memref<!tpu.dma_semaphore, #tpu.memory_space<semaphore_mem>>) src(%arg7 : memref<768xf32, #tpu.memory_space<vmem>>) dst(%dma_wait3A_358 : memref<768xf32, #tpu.memory_space<hbm>>)
            tpu.yield
          }) : () -> ()
        } else {
        }
        %eq3A_76 = arith.constant 3 : i32
        %eq3A_77 = vector.broadcast %eq3A_76 : i32 to vector<16xi32>
        %eq3A_78 = arith.cmpi eq, %iota3A, %eq3A_77 : vector<16xi32>
        %jit3A_79 = arith.constant 0 : i32
        %broadcast_in_dim3A_80 = vector.broadcast %jit3A_79 : i32 to vector<16xi32>
        %select_n3A_81 = arith.select %eq3A_78, %get3A_10, %broadcast_in_dim3A_80 : vector<16xi1>, vector<16xi32>
        %reduce_max3A_82 = arith.constant true
        %reduce_max3A_83 = vector.broadcast %reduce_max3A_82 : i1 to vector<16xi1>
        %reduce_max3A_84 = arith.constant -2147483648 : i32
        %reduce_max3A_85 = vector.broadcast %reduce_max3A_84 : i32 to vector<16xi32>
        %reduce_max3A_86 = arith.xori %select_n3A_81, %reduce_max3A_85 : vector<16xi32>
        %reduce_max3A_87 = tpu.scan <max>, %reduce_max3A_86 masked %reduce_max3A_83 : vector<16xi32>, vector<16xi1> -> vector<16xi32>
        %reduce_max3A_88 = arith.xori %reduce_max3A_87, %reduce_max3A_85 : vector<16xi32>
        %reduce_max3A_89 = vector.extract %reduce_max3A_88[15] : i32 from vector<16xi32>
        %eq3A_90 = arith.constant 12345 : i32
        %eq3A_91 = arith.cmpi eq, %reduce_max3A_89, %eq3A_90 : i32
        %convert_element_type3A_92 = arith.extui %eq3A_91 : i1 to i32
        %cond3A_93 = arith.constant 0 : i32
        %cond3A_94 = arith.cmpi ne, %convert_element_type3A_92, %cond3A_93 : i32
        scf.if %cond3A_94 {
          %mul3A_323 = arith.constant 16 : i32
          %mul3A_324 = arith.muli %scan3A_7, %mul3A_323 : i32
          %add3A_325 = arith.addi %mul3A_2, %mul3A_324 : i32
          %add3A_326 = arith.constant 3 : i32
          %add3A_327 = arith.addi %add3A_325, %add3A_326 : i32
          %jit3A_328 = arith.constant 77 : i32
          %div3A = arith.divsi %add3A_327, %jit3A_328 : i32
          %sign3A = arith.constant 0 : i32
          %sign3A_329 = arith.cmpi sgt, %add3A_327, %sign3A : i32
          %sign3A_330 = arith.extui %sign3A_329 : i1 to i32
          %sign3A_331 = arith.constant 0 : i32
          %sign3A_332 = arith.cmpi slt, %add3A_327, %sign3A_331 : i32
          %sign3A_333 = arith.extui %sign3A_332 : i1 to i32
          %sign3A_334 = arith.subi %sign3A_330, %sign3A_333 : i32
          %sign3A_335 = arith.constant 0 : i32
          %sign3A_336 = arith.cmpi sgt, %jit3A_328, %sign3A_335 : i32
          %sign3A_337 = arith.extui %sign3A_336 : i1 to i32
          %sign3A_338 = arith.constant 0 : i32
          %sign3A_339 = arith.cmpi slt, %jit3A_328, %sign3A_338 : i32
          %sign3A_340 = arith.extui %sign3A_339 : i1 to i32
          %sign3A_341 = arith.subi %sign3A_337, %sign3A_340 : i32
          %ne3A = arith.cmpi ne, %sign3A_334, %sign3A_341 : i32
          %rem3A = arith.remsi %add3A_327, %jit3A_328 : i32
          %ne3A_342 = arith.constant 0 : i32
          %ne3A_343 = arith.cmpi ne, %rem3A, %ne3A_342 : i32
          %and3A = arith.andi %ne3A, %ne3A_343 : i1
          %sub3A = arith.constant 1 : i32
          %sub3A_344 = arith.subi %div3A, %sub3A : i32
          %select_n3A_345 = arith.select %and3A, %sub3A_344, %div3A : i32
          %mul3A_346 = arith.constant 77 : i32
          %mul3A_347 = arith.muli %select_n3A_345, %mul3A_346 : i32
          %sub3A_348 = arith.subi %add3A_327, %mul3A_347 : i32
          "tpu.region"() ({
            %run_scoped3A = tpu.sem_alloc : memref<!tpu.dma_semaphore, #tpu.memory_space<semaphore_mem>>
            %dma_start3A = arith.constant 0 : i32
            %dma_start3A_349 = tpu.memref_slice %arg4[%select_n3A_345, %sub3A_348, %dma_start3A] : memref<1024x77x768xf32, #tpu.memory_space<hbm>> -> memref<1x1x768xf32, #tpu.memory_space<hbm>>
            %dma_start3A_350 = tpu.memref_squeeze %dma_start3A_349 : memref<1x1x768xf32, #tpu.memory_space<hbm>> -> memref<768xf32, #tpu.memory_space<hbm>>
            %dma_start3A_351 = arith.constant 0 : i32
            %dma_start3A_352 = tpu.memref_slice %arg4[%select_n3A_345, %sub3A_348, %dma_start3A_351] : memref<1024x77x768xf32, #tpu.memory_space<hbm>> -> memref<1x1x768xf32, #tpu.memory_space<hbm>>
            %dma_start3A_353 = tpu.memref_squeeze %dma_start3A_352 : memref<1x1x768xf32, #tpu.memory_space<hbm>> -> memref<768xf32, #tpu.memory_space<hbm>>
            tpu.enqueue_dma source(%arg7 : memref<768xf32, #tpu.memory_space<vmem>>) target(%dma_start3A_353 : memref<768xf32, #tpu.memory_space<hbm>>) target_semaphore(%run_scoped3A : memref<!tpu.dma_semaphore, #tpu.memory_space<semaphore_mem>>)
            %dma_wait3A = arith.constant 0 : i32
            %dma_wait3A_354 = tpu.memref_slice %arg4[%select_n3A_345, %sub3A_348, %dma_wait3A] : memref<1024x77x768xf32, #tpu.memory_space<hbm>> -> memref<1x1x768xf32, #tpu.memory_space<hbm>>
            %dma_wait3A_355 = tpu.memref_squeeze %dma_wait3A_354 : memref<1x1x768xf32, #tpu.memory_space<hbm>> -> memref<768xf32, #tpu.memory_space<hbm>>
            %dma_wait3A_356 = arith.constant 0 : i32
            %dma_wait3A_357 = tpu.memref_slice %arg4[%select_n3A_345, %sub3A_348, %dma_wait3A_356] : memref<1024x77x768xf32, #tpu.memory_space<hbm>> -> memref<1x1x768xf32, #tpu.memory_space<hbm>>
            %dma_wait3A_358 = tpu.memref_squeeze %dma_wait3A_357 : memref<1x1x768xf32, #tpu.memory_space<hbm>> -> memref<768xf32, #tpu.memory_space<hbm>>
            tpu.wait_dma2 semaphore(%run_scoped3A : memref<!tpu.dma_semaphore, #tpu.memory_space<semaphore_mem>>) src(%arg7 : memref<768xf32, #tpu.memory_space<vmem>>) dst(%dma_wait3A_358 : memref<768xf32, #tpu.memory_space<hbm>>)
            tpu.yield
          }) : () -> ()
        } else {
        }
        %eq3A_95 = arith.constant 4 : i32
        %eq3A_96 = vector.broadcast %eq3A_95 : i32 to vector<16xi32>
        %eq3A_97 = arith.cmpi eq, %iota3A, %eq3A_96 : vector<16xi32>
        %jit3A_98 = arith.constant 0 : i32
        %broadcast_in_dim3A_99 = vector.broadcast %jit3A_98 : i32 to vector<16xi32>
        %select_n3A_100 = arith.select %eq3A_97, %get3A_10, %broadcast_in_dim3A_99 : vector<16xi1>, vector<16xi32>
        %reduce_max3A_101 = arith.constant true
        %reduce_max3A_102 = vector.broadcast %reduce_max3A_101 : i1 to vector<16xi1>
        %reduce_max3A_103 = arith.constant -2147483648 : i32
        %reduce_max3A_104 = vector.broadcast %reduce_max3A_103 : i32 to vector<16xi32>
        %reduce_max3A_105 = arith.xori %select_n3A_100, %reduce_max3A_104 : vector<16xi32>
        %reduce_max3A_106 = tpu.scan <max>, %reduce_max3A_105 masked %reduce_max3A_102 : vector<16xi32>, vector<16xi1> -> vector<16xi32>
        %reduce_max3A_107 = arith.xori %reduce_max3A_106, %reduce_max3A_104 : vector<16xi32>
        %reduce_max3A_108 = vector.extract %reduce_max3A_107[15] : i32 from vector<16xi32>
        %eq3A_109 = arith.constant 12345 : i32
        %eq3A_110 = arith.cmpi eq, %reduce_max3A_108, %eq3A_109 : i32
        %convert_element_type3A_111 = arith.extui %eq3A_110 : i1 to i32
        %cond3A_112 = arith.constant 0 : i32
        %cond3A_113 = arith.cmpi ne, %convert_element_type3A_111, %cond3A_112 : i32
        scf.if %cond3A_113 {
          %mul3A_323 = arith.constant 16 : i32
          %mul3A_324 = arith.muli %scan3A_7, %mul3A_323 : i32
          %add3A_325 = arith.addi %mul3A_2, %mul3A_324 : i32
          %add3A_326 = arith.constant 4 : i32
          %add3A_327 = arith.addi %add3A_325, %add3A_326 : i32
          %jit3A_328 = arith.constant 77 : i32
          %div3A = arith.divsi %add3A_327, %jit3A_328 : i32
          %sign3A = arith.constant 0 : i32
          %sign3A_329 = arith.cmpi sgt, %add3A_327, %sign3A : i32
          %sign3A_330 = arith.extui %sign3A_329 : i1 to i32
          %sign3A_331 = arith.constant 0 : i32
          %sign3A_332 = arith.cmpi slt, %add3A_327, %sign3A_331 : i32
          %sign3A_333 = arith.extui %sign3A_332 : i1 to i32
          %sign3A_334 = arith.subi %sign3A_330, %sign3A_333 : i32
          %sign3A_335 = arith.constant 0 : i32
          %sign3A_336 = arith.cmpi sgt, %jit3A_328, %sign3A_335 : i32
          %sign3A_337 = arith.extui %sign3A_336 : i1 to i32
          %sign3A_338 = arith.constant 0 : i32
          %sign3A_339 = arith.cmpi slt, %jit3A_328, %sign3A_338 : i32
          %sign3A_340 = arith.extui %sign3A_339 : i1 to i32
          %sign3A_341 = arith.subi %sign3A_337, %sign3A_340 : i32
          %ne3A = arith.cmpi ne, %sign3A_334, %sign3A_341 : i32
          %rem3A = arith.remsi %add3A_327, %jit3A_328 : i32
          %ne3A_342 = arith.constant 0 : i32
          %ne3A_343 = arith.cmpi ne, %rem3A, %ne3A_342 : i32
          %and3A = arith.andi %ne3A, %ne3A_343 : i1
          %sub3A = arith.constant 1 : i32
          %sub3A_344 = arith.subi %div3A, %sub3A : i32
          %select_n3A_345 = arith.select %and3A, %sub3A_344, %div3A : i32
          %mul3A_346 = arith.constant 77 : i32
          %mul3A_347 = arith.muli %select_n3A_345, %mul3A_346 : i32
          %sub3A_348 = arith.subi %add3A_327, %mul3A_347 : i32
          "tpu.region"() ({
            %run_scoped3A = tpu.sem_alloc : memref<!tpu.dma_semaphore, #tpu.memory_space<semaphore_mem>>
            %dma_start3A = arith.constant 0 : i32
            %dma_start3A_349 = tpu.memref_slice %arg4[%select_n3A_345, %sub3A_348, %dma_start3A] : memref<1024x77x768xf32, #tpu.memory_space<hbm>> -> memref<1x1x768xf32, #tpu.memory_space<hbm>>
            %dma_start3A_350 = tpu.memref_squeeze %dma_start3A_349 : memref<1x1x768xf32, #tpu.memory_space<hbm>> -> memref<768xf32, #tpu.memory_space<hbm>>
            %dma_start3A_351 = arith.constant 0 : i32
            %dma_start3A_352 = tpu.memref_slice %arg4[%select_n3A_345, %sub3A_348, %dma_start3A_351] : memref<1024x77x768xf32, #tpu.memory_space<hbm>> -> memref<1x1x768xf32, #tpu.memory_space<hbm>>
            %dma_start3A_353 = tpu.memref_squeeze %dma_start3A_352 : memref<1x1x768xf32, #tpu.memory_space<hbm>> -> memref<768xf32, #tpu.memory_space<hbm>>
            tpu.enqueue_dma source(%arg7 : memref<768xf32, #tpu.memory_space<vmem>>) target(%dma_start3A_353 : memref<768xf32, #tpu.memory_space<hbm>>) target_semaphore(%run_scoped3A : memref<!tpu.dma_semaphore, #tpu.memory_space<semaphore_mem>>)
            %dma_wait3A = arith.constant 0 : i32
            %dma_wait3A_354 = tpu.memref_slice %arg4[%select_n3A_345, %sub3A_348, %dma_wait3A] : memref<1024x77x768xf32, #tpu.memory_space<hbm>> -> memref<1x1x768xf32, #tpu.memory_space<hbm>>
            %dma_wait3A_355 = tpu.memref_squeeze %dma_wait3A_354 : memref<1x1x768xf32, #tpu.memory_space<hbm>> -> memref<768xf32, #tpu.memory_space<hbm>>
            %dma_wait3A_356 = arith.constant 0 : i32
            %dma_wait3A_357 = tpu.memref_slice %arg4[%select_n3A_345, %sub3A_348, %dma_wait3A_356] : memref<1024x77x768xf32, #tpu.memory_space<hbm>> -> memref<1x1x768xf32, #tpu.memory_space<hbm>>
            %dma_wait3A_358 = tpu.memref_squeeze %dma_wait3A_357 : memref<1x1x768xf32, #tpu.memory_space<hbm>> -> memref<768xf32, #tpu.memory_space<hbm>>
            tpu.wait_dma2 semaphore(%run_scoped3A : memref<!tpu.dma_semaphore, #tpu.memory_space<semaphore_mem>>) src(%arg7 : memref<768xf32, #tpu.memory_space<vmem>>) dst(%dma_wait3A_358 : memref<768xf32, #tpu.memory_space<hbm>>)
            tpu.yield
          }) : () -> ()
        } else {
        }
        %eq3A_114 = arith.constant 5 : i32
        %eq3A_115 = vector.broadcast %eq3A_114 : i32 to vector<16xi32>
        %eq3A_116 = arith.cmpi eq, %iota3A, %eq3A_115 : vector<16xi32>
        %jit3A_117 = arith.constant 0 : i32
        %broadcast_in_dim3A_118 = vector.broadcast %jit3A_117 : i32 to vector<16xi32>
        %select_n3A_119 = arith.select %eq3A_116, %get3A_10, %broadcast_in_dim3A_118 : vector<16xi1>, vector<16xi32>
        %reduce_max3A_120 = arith.constant true
        %reduce_max3A_121 = vector.broadcast %reduce_max3A_120 : i1 to vector<16xi1>
        %reduce_max3A_122 = arith.constant -2147483648 : i32
        %reduce_max3A_123 = vector.broadcast %reduce_max3A_122 : i32 to vector<16xi32>
        %reduce_max3A_124 = arith.xori %select_n3A_119, %reduce_max3A_123 : vector<16xi32>
        %reduce_max3A_125 = tpu.scan <max>, %reduce_max3A_124 masked %reduce_max3A_121 : vector<16xi32>, vector<16xi1> -> vector<16xi32>
        %reduce_max3A_126 = arith.xori %reduce_max3A_125, %reduce_max3A_123 : vector<16xi32>
        %reduce_max3A_127 = vector.extract %reduce_max3A_126[15] : i32 from vector<16xi32>
        %eq3A_128 = arith.constant 12345 : i32
        %eq3A_129 = arith.cmpi eq, %reduce_max3A_127, %eq3A_128 : i32
        %convert_element_type3A_130 = arith.extui %eq3A_129 : i1 to i32
        %cond3A_131 = arith.constant 0 : i32
        %cond3A_132 = arith.cmpi ne, %convert_element_type3A_130, %cond3A_131 : i32
        scf.if %cond3A_132 {
          %mul3A_323 = arith.constant 16 : i32
          %mul3A_324 = arith.muli %scan3A_7, %mul3A_323 : i32
          %add3A_325 = arith.addi %mul3A_2, %mul3A_324 : i32
          %add3A_326 = arith.constant 5 : i32
          %add3A_327 = arith.addi %add3A_325, %add3A_326 : i32
          %jit3A_328 = arith.constant 77 : i32
          %div3A = arith.divsi %add3A_327, %jit3A_328 : i32
          %sign3A = arith.constant 0 : i32
          %sign3A_329 = arith.cmpi sgt, %add3A_327, %sign3A : i32
          %sign3A_330 = arith.extui %sign3A_329 : i1 to i32
          %sign3A_331 = arith.constant 0 : i32
          %sign3A_332 = arith.cmpi slt, %add3A_327, %sign3A_331 : i32
          %sign3A_333 = arith.extui %sign3A_332 : i1 to i32
          %sign3A_334 = arith.subi %sign3A_330, %sign3A_333 : i32
          %sign3A_335 = arith.constant 0 : i32
          %sign3A_336 = arith.cmpi sgt, %jit3A_328, %sign3A_335 : i32
          %sign3A_337 = arith.extui %sign3A_336 : i1 to i32
          %sign3A_338 = arith.constant 0 : i32
          %sign3A_339 = arith.cmpi slt, %jit3A_328, %sign3A_338 : i32
          %sign3A_340 = arith.extui %sign3A_339 : i1 to i32
          %sign3A_341 = arith.subi %sign3A_337, %sign3A_340 : i32
          %ne3A = arith.cmpi ne, %sign3A_334, %sign3A_341 : i32
          %rem3A = arith.remsi %add3A_327, %jit3A_328 : i32
          %ne3A_342 = arith.constant 0 : i32
          %ne3A_343 = arith.cmpi ne, %rem3A, %ne3A_342 : i32
          %and3A = arith.andi %ne3A, %ne3A_343 : i1
          %sub3A = arith.constant 1 : i32
          %sub3A_344 = arith.subi %div3A, %sub3A : i32
          %select_n3A_345 = arith.select %and3A, %sub3A_344, %div3A : i32
          %mul3A_346 = arith.constant 77 : i32
          %mul3A_347 = arith.muli %select_n3A_345, %mul3A_346 : i32
          %sub3A_348 = arith.subi %add3A_327, %mul3A_347 : i32
          "tpu.region"() ({
            %run_scoped3A = tpu.sem_alloc : memref<!tpu.dma_semaphore, #tpu.memory_space<semaphore_mem>>
            %dma_start3A = arith.constant 0 : i32
            %dma_start3A_349 = tpu.memref_slice %arg4[%select_n3A_345, %sub3A_348, %dma_start3A] : memref<1024x77x768xf32, #tpu.memory_space<hbm>> -> memref<1x1x768xf32, #tpu.memory_space<hbm>>
            %dma_start3A_350 = tpu.memref_squeeze %dma_start3A_349 : memref<1x1x768xf32, #tpu.memory_space<hbm>> -> memref<768xf32, #tpu.memory_space<hbm>>
            %dma_start3A_351 = arith.constant 0 : i32
            %dma_start3A_352 = tpu.memref_slice %arg4[%select_n3A_345, %sub3A_348, %dma_start3A_351] : memref<1024x77x768xf32, #tpu.memory_space<hbm>> -> memref<1x1x768xf32, #tpu.memory_space<hbm>>
            %dma_start3A_353 = tpu.memref_squeeze %dma_start3A_352 : memref<1x1x768xf32, #tpu.memory_space<hbm>> -> memref<768xf32, #tpu.memory_space<hbm>>
            tpu.enqueue_dma source(%arg7 : memref<768xf32, #tpu.memory_space<vmem>>) target(%dma_start3A_353 : memref<768xf32, #tpu.memory_space<hbm>>) target_semaphore(%run_scoped3A : memref<!tpu.dma_semaphore, #tpu.memory_space<semaphore_mem>>)
            %dma_wait3A = arith.constant 0 : i32
            %dma_wait3A_354 = tpu.memref_slice %arg4[%select_n3A_345, %sub3A_348, %dma_wait3A] : memref<1024x77x768xf32, #tpu.memory_space<hbm>> -> memref<1x1x768xf32, #tpu.memory_space<hbm>>
            %dma_wait3A_355 = tpu.memref_squeeze %dma_wait3A_354 : memref<1x1x768xf32, #tpu.memory_space<hbm>> -> memref<768xf32, #tpu.memory_space<hbm>>
            %dma_wait3A_356 = arith.constant 0 : i32
            %dma_wait3A_357 = tpu.memref_slice %arg4[%select_n3A_345, %sub3A_348, %dma_wait3A_356] : memref<1024x77x768xf32, #tpu.memory_space<hbm>> -> memref<1x1x768xf32, #tpu.memory_space<hbm>>
            %dma_wait3A_358 = tpu.memref_squeeze %dma_wait3A_357 : memref<1x1x768xf32, #tpu.memory_space<hbm>> -> memref<768xf32, #tpu.memory_space<hbm>>
            tpu.wait_dma2 semaphore(%run_scoped3A : memref<!tpu.dma_semaphore, #tpu.memory_space<semaphore_mem>>) src(%arg7 : memref<768xf32, #tpu.memory_space<vmem>>) dst(%dma_wait3A_358 : memref<768xf32, #tpu.memory_space<hbm>>)
            tpu.yield
          }) : () -> ()
        } else {
        }
        %eq3A_133 = arith.constant 6 : i32
        %eq3A_134 = vector.broadcast %eq3A_133 : i32 to vector<16xi32>
        %eq3A_135 = arith.cmpi eq, %iota3A, %eq3A_134 : vector<16xi32>
        %jit3A_136 = arith.constant 0 : i32
        %broadcast_in_dim3A_137 = vector.broadcast %jit3A_136 : i32 to vector<16xi32>
        %select_n3A_138 = arith.select %eq3A_135, %get3A_10, %broadcast_in_dim3A_137 : vector<16xi1>, vector<16xi32>
        %reduce_max3A_139 = arith.constant true
        %reduce_max3A_140 = vector.broadcast %reduce_max3A_139 : i1 to vector<16xi1>
        %reduce_max3A_141 = arith.constant -2147483648 : i32
        %reduce_max3A_142 = vector.broadcast %reduce_max3A_141 : i32 to vector<16xi32>
        %reduce_max3A_143 = arith.xori %select_n3A_138, %reduce_max3A_142 : vector<16xi32>
        %reduce_max3A_144 = tpu.scan <max>, %reduce_max3A_143 masked %reduce_max3A_140 : vector<16xi32>, vector<16xi1> -> vector<16xi32>
        %reduce_max3A_145 = arith.xori %reduce_max3A_144, %reduce_max3A_142 : vector<16xi32>
        %reduce_max3A_146 = vector.extract %reduce_max3A_145[15] : i32 from vector<16xi32>
        %eq3A_147 = arith.constant 12345 : i32
        %eq3A_148 = arith.cmpi eq, %reduce_max3A_146, %eq3A_147 : i32
        %convert_element_type3A_149 = arith.extui %eq3A_148 : i1 to i32
        %cond3A_150 = arith.constant 0 : i32
        %cond3A_151 = arith.cmpi ne, %convert_element_type3A_149, %cond3A_150 : i32
        scf.if %cond3A_151 {
          %mul3A_323 = arith.constant 16 : i32
          %mul3A_324 = arith.muli %scan3A_7, %mul3A_323 : i32
          %add3A_325 = arith.addi %mul3A_2, %mul3A_324 : i32
          %add3A_326 = arith.constant 6 : i32
          %add3A_327 = arith.addi %add3A_325, %add3A_326 : i32
          %jit3A_328 = arith.constant 77 : i32
          %div3A = arith.divsi %add3A_327, %jit3A_328 : i32
          %sign3A = arith.constant 0 : i32
          %sign3A_329 = arith.cmpi sgt, %add3A_327, %sign3A : i32
          %sign3A_330 = arith.extui %sign3A_329 : i1 to i32
          %sign3A_331 = arith.constant 0 : i32
          %sign3A_332 = arith.cmpi slt, %add3A_327, %sign3A_331 : i32
          %sign3A_333 = arith.extui %sign3A_332 : i1 to i32
          %sign3A_334 = arith.subi %sign3A_330, %sign3A_333 : i32
          %sign3A_335 = arith.constant 0 : i32
          %sign3A_336 = arith.cmpi sgt, %jit3A_328, %sign3A_335 : i32
          %sign3A_337 = arith.extui %sign3A_336 : i1 to i32
          %sign3A_338 = arith.constant 0 : i32
          %sign3A_339 = arith.cmpi slt, %jit3A_328, %sign3A_338 : i32
          %sign3A_340 = arith.extui %sign3A_339 : i1 to i32
          %sign3A_341 = arith.subi %sign3A_337, %sign3A_340 : i32
          %ne3A = arith.cmpi ne, %sign3A_334, %sign3A_341 : i32
          %rem3A = arith.remsi %add3A_327, %jit3A_328 : i32
          %ne3A_342 = arith.constant 0 : i32
          %ne3A_343 = arith.cmpi ne, %rem3A, %ne3A_342 : i32
          %and3A = arith.andi %ne3A, %ne3A_343 : i1
          %sub3A = arith.constant 1 : i32
          %sub3A_344 = arith.subi %div3A, %sub3A : i32
          %select_n3A_345 = arith.select %and3A, %sub3A_344, %div3A : i32
          %mul3A_346 = arith.constant 77 : i32
          %mul3A_347 = arith.muli %select_n3A_345, %mul3A_346 : i32
          %sub3A_348 = arith.subi %add3A_327, %mul3A_347 : i32
          "tpu.region"() ({
            %run_scoped3A = tpu.sem_alloc : memref<!tpu.dma_semaphore, #tpu.memory_space<semaphore_mem>>
            %dma_start3A = arith.constant 0 : i32
            %dma_start3A_349 = tpu.memref_slice %arg4[%select_n3A_345, %sub3A_348, %dma_start3A] : memref<1024x77x768xf32, #tpu.memory_space<hbm>> -> memref<1x1x768xf32, #tpu.memory_space<hbm>>
            %dma_start3A_350 = tpu.memref_squeeze %dma_start3A_349 : memref<1x1x768xf32, #tpu.memory_space<hbm>> -> memref<768xf32, #tpu.memory_space<hbm>>
            %dma_start3A_351 = arith.constant 0 : i32
            %dma_start3A_352 = tpu.memref_slice %arg4[%select_n3A_345, %sub3A_348, %dma_start3A_351] : memref<1024x77x768xf32, #tpu.memory_space<hbm>> -> memref<1x1x768xf32, #tpu.memory_space<hbm>>
            %dma_start3A_353 = tpu.memref_squeeze %dma_start3A_352 : memref<1x1x768xf32, #tpu.memory_space<hbm>> -> memref<768xf32, #tpu.memory_space<hbm>>
            tpu.enqueue_dma source(%arg7 : memref<768xf32, #tpu.memory_space<vmem>>) target(%dma_start3A_353 : memref<768xf32, #tpu.memory_space<hbm>>) target_semaphore(%run_scoped3A : memref<!tpu.dma_semaphore, #tpu.memory_space<semaphore_mem>>)
            %dma_wait3A = arith.constant 0 : i32
            %dma_wait3A_354 = tpu.memref_slice %arg4[%select_n3A_345, %sub3A_348, %dma_wait3A] : memref<1024x77x768xf32, #tpu.memory_space<hbm>> -> memref<1x1x768xf32, #tpu.memory_space<hbm>>
            %dma_wait3A_355 = tpu.memref_squeeze %dma_wait3A_354 : memref<1x1x768xf32, #tpu.memory_space<hbm>> -> memref<768xf32, #tpu.memory_space<hbm>>
            %dma_wait3A_356 = arith.constant 0 : i32
            %dma_wait3A_357 = tpu.memref_slice %arg4[%select_n3A_345, %sub3A_348, %dma_wait3A_356] : memref<1024x77x768xf32, #tpu.memory_space<hbm>> -> memref<1x1x768xf32, #tpu.memory_space<hbm>>
            %dma_wait3A_358 = tpu.memref_squeeze %dma_wait3A_357 : memref<1x1x768xf32, #tpu.memory_space<hbm>> -> memref<768xf32, #tpu.memory_space<hbm>>
            tpu.wait_dma2 semaphore(%run_scoped3A : memref<!tpu.dma_semaphore, #tpu.memory_space<semaphore_mem>>) src(%arg7 : memref<768xf32, #tpu.memory_space<vmem>>) dst(%dma_wait3A_358 : memref<768xf32, #tpu.memory_space<hbm>>)
            tpu.yield
          }) : () -> ()
        } else {
        }
        %eq3A_152 = arith.constant 7 : i32
        %eq3A_153 = vector.broadcast %eq3A_152 : i32 to vector<16xi32>
        %eq3A_154 = arith.cmpi eq, %iota3A, %eq3A_153 : vector<16xi32>
        %jit3A_155 = arith.constant 0 : i32
        %broadcast_in_dim3A_156 = vector.broadcast %jit3A_155 : i32 to vector<16xi32>
        %select_n3A_157 = arith.select %eq3A_154, %get3A_10, %broadcast_in_dim3A_156 : vector<16xi1>, vector<16xi32>
        %reduce_max3A_158 = arith.constant true
        %reduce_max3A_159 = vector.broadcast %reduce_max3A_158 : i1 to vector<16xi1>
        %reduce_max3A_160 = arith.constant -2147483648 : i32
        %reduce_max3A_161 = vector.broadcast %reduce_max3A_160 : i32 to vector<16xi32>
        %reduce_max3A_162 = arith.xori %select_n3A_157, %reduce_max3A_161 : vector<16xi32>
        %reduce_max3A_163 = tpu.scan <max>, %reduce_max3A_162 masked %reduce_max3A_159 : vector<16xi32>, vector<16xi1> -> vector<16xi32>
        %reduce_max3A_164 = arith.xori %reduce_max3A_163, %reduce_max3A_161 : vector<16xi32>
        %reduce_max3A_165 = vector.extract %reduce_max3A_164[15] : i32 from vector<16xi32>
        %eq3A_166 = arith.constant 12345 : i32
        %eq3A_167 = arith.cmpi eq, %reduce_max3A_165, %eq3A_166 : i32
        %convert_element_type3A_168 = arith.extui %eq3A_167 : i1 to i32
        %cond3A_169 = arith.constant 0 : i32
        %cond3A_170 = arith.cmpi ne, %convert_element_type3A_168, %cond3A_169 : i32
        scf.if %cond3A_170 {
          %mul3A_323 = arith.constant 16 : i32
          %mul3A_324 = arith.muli %scan3A_7, %mul3A_323 : i32
          %add3A_325 = arith.addi %mul3A_2, %mul3A_324 : i32
          %add3A_326 = arith.constant 7 : i32
          %add3A_327 = arith.addi %add3A_325, %add3A_326 : i32
          %jit3A_328 = arith.constant 77 : i32
          %div3A = arith.divsi %add3A_327, %jit3A_328 : i32
          %sign3A = arith.constant 0 : i32
          %sign3A_329 = arith.cmpi sgt, %add3A_327, %sign3A : i32
          %sign3A_330 = arith.extui %sign3A_329 : i1 to i32
          %sign3A_331 = arith.constant 0 : i32
          %sign3A_332 = arith.cmpi slt, %add3A_327, %sign3A_331 : i32
          %sign3A_333 = arith.extui %sign3A_332 : i1 to i32
          %sign3A_334 = arith.subi %sign3A_330, %sign3A_333 : i32
          %sign3A_335 = arith.constant 0 : i32
          %sign3A_336 = arith.cmpi sgt, %jit3A_328, %sign3A_335 : i32
          %sign3A_337 = arith.extui %sign3A_336 : i1 to i32
          %sign3A_338 = arith.constant 0 : i32
          %sign3A_339 = arith.cmpi slt, %jit3A_328, %sign3A_338 : i32
          %sign3A_340 = arith.extui %sign3A_339 : i1 to i32
          %sign3A_341 = arith.subi %sign3A_337, %sign3A_340 : i32
          %ne3A = arith.cmpi ne, %sign3A_334, %sign3A_341 : i32
          %rem3A = arith.remsi %add3A_327, %jit3A_328 : i32
          %ne3A_342 = arith.constant 0 : i32
          %ne3A_343 = arith.cmpi ne, %rem3A, %ne3A_342 : i32
          %and3A = arith.andi %ne3A, %ne3A_343 : i1
          %sub3A = arith.constant 1 : i32
          %sub3A_344 = arith.subi %div3A, %sub3A : i32
          %select_n3A_345 = arith.select %and3A, %sub3A_344, %div3A : i32
          %mul3A_346 = arith.constant 77 : i32
          %mul3A_347 = arith.muli %select_n3A_345, %mul3A_346 : i32
          %sub3A_348 = arith.subi %add3A_327, %mul3A_347 : i32
          "tpu.region"() ({
            %run_scoped3A = tpu.sem_alloc : memref<!tpu.dma_semaphore, #tpu.memory_space<semaphore_mem>>
            %dma_start3A = arith.constant 0 : i32
            %dma_start3A_349 = tpu.memref_slice %arg4[%select_n3A_345, %sub3A_348, %dma_start3A] : memref<1024x77x768xf32, #tpu.memory_space<hbm>> -> memref<1x1x768xf32, #tpu.memory_space<hbm>>
            %dma_start3A_350 = tpu.memref_squeeze %dma_start3A_349 : memref<1x1x768xf32, #tpu.memory_space<hbm>> -> memref<768xf32, #tpu.memory_space<hbm>>
            %dma_start3A_351 = arith.constant 0 : i32
            %dma_start3A_352 = tpu.memref_slice %arg4[%select_n3A_345, %sub3A_348, %dma_start3A_351] : memref<1024x77x768xf32, #tpu.memory_space<hbm>> -> memref<1x1x768xf32, #tpu.memory_space<hbm>>
            %dma_start3A_353 = tpu.memref_squeeze %dma_start3A_352 : memref<1x1x768xf32, #tpu.memory_space<hbm>> -> memref<768xf32, #tpu.memory_space<hbm>>
            tpu.enqueue_dma source(%arg7 : memref<768xf32, #tpu.memory_space<vmem>>) target(%dma_start3A_353 : memref<768xf32, #tpu.memory_space<hbm>>) target_semaphore(%run_scoped3A : memref<!tpu.dma_semaphore, #tpu.memory_space<semaphore_mem>>)
            %dma_wait3A = arith.constant 0 : i32
            %dma_wait3A_354 = tpu.memref_slice %arg4[%select_n3A_345, %sub3A_348, %dma_wait3A] : memref<1024x77x768xf32, #tpu.memory_space<hbm>> -> memref<1x1x768xf32, #tpu.memory_space<hbm>>
            %dma_wait3A_355 = tpu.memref_squeeze %dma_wait3A_354 : memref<1x1x768xf32, #tpu.memory_space<hbm>> -> memref<768xf32, #tpu.memory_space<hbm>>
            %dma_wait3A_356 = arith.constant 0 : i32
            %dma_wait3A_357 = tpu.memref_slice %arg4[%select_n3A_345, %sub3A_348, %dma_wait3A_356] : memref<1024x77x768xf32, #tpu.memory_space<hbm>> -> memref<1x1x768xf32, #tpu.memory_space<hbm>>
            %dma_wait3A_358 = tpu.memref_squeeze %dma_wait3A_357 : memref<1x1x768xf32, #tpu.memory_space<hbm>> -> memref<768xf32, #tpu.memory_space<hbm>>
            tpu.wait_dma2 semaphore(%run_scoped3A : memref<!tpu.dma_semaphore, #tpu.memory_space<semaphore_mem>>) src(%arg7 : memref<768xf32, #tpu.memory_space<vmem>>) dst(%dma_wait3A_358 : memref<768xf32, #tpu.memory_space<hbm>>)
            tpu.yield
          }) : () -> ()
        } else {
        }
        %eq3A_171 = arith.constant 8 : i32
        %eq3A_172 = vector.broadcast %eq3A_171 : i32 to vector<16xi32>
        %eq3A_173 = arith.cmpi eq, %iota3A, %eq3A_172 : vector<16xi32>
        %jit3A_174 = arith.constant 0 : i32
        %broadcast_in_dim3A_175 = vector.broadcast %jit3A_174 : i32 to vector<16xi32>
        %select_n3A_176 = arith.select %eq3A_173, %get3A_10, %broadcast_in_dim3A_175 : vector<16xi1>, vector<16xi32>
        %reduce_max3A_177 = arith.constant true
        %reduce_max3A_178 = vector.broadcast %reduce_max3A_177 : i1 to vector<16xi1>
        %reduce_max3A_179 = arith.constant -2147483648 : i32
        %reduce_max3A_180 = vector.broadcast %reduce_max3A_179 : i32 to vector<16xi32>
        %reduce_max3A_181 = arith.xori %select_n3A_176, %reduce_max3A_180 : vector<16xi32>
        %reduce_max3A_182 = tpu.scan <max>, %reduce_max3A_181 masked %reduce_max3A_178 : vector<16xi32>, vector<16xi1> -> vector<16xi32>
        %reduce_max3A_183 = arith.xori %reduce_max3A_182, %reduce_max3A_180 : vector<16xi32>
        %reduce_max3A_184 = vector.extract %reduce_max3A_183[15] : i32 from vector<16xi32>
        %eq3A_185 = arith.constant 12345 : i32
        %eq3A_186 = arith.cmpi eq, %reduce_max3A_184, %eq3A_185 : i32
        %convert_element_type3A_187 = arith.extui %eq3A_186 : i1 to i32
        %cond3A_188 = arith.constant 0 : i32
        %cond3A_189 = arith.cmpi ne, %convert_element_type3A_187, %cond3A_188 : i32
        scf.if %cond3A_189 {
          %mul3A_323 = arith.constant 16 : i32
          %mul3A_324 = arith.muli %scan3A_7, %mul3A_323 : i32
          %add3A_325 = arith.addi %mul3A_2, %mul3A_324 : i32
          %add3A_326 = arith.constant 8 : i32
          %add3A_327 = arith.addi %add3A_325, %add3A_326 : i32
          %jit3A_328 = arith.constant 77 : i32
          %div3A = arith.divsi %add3A_327, %jit3A_328 : i32
          %sign3A = arith.constant 0 : i32
          %sign3A_329 = arith.cmpi sgt, %add3A_327, %sign3A : i32
          %sign3A_330 = arith.extui %sign3A_329 : i1 to i32
          %sign3A_331 = arith.constant 0 : i32
          %sign3A_332 = arith.cmpi slt, %add3A_327, %sign3A_331 : i32
          %sign3A_333 = arith.extui %sign3A_332 : i1 to i32
          %sign3A_334 = arith.subi %sign3A_330, %sign3A_333 : i32
          %sign3A_335 = arith.constant 0 : i32
          %sign3A_336 = arith.cmpi sgt, %jit3A_328, %sign3A_335 : i32
          %sign3A_337 = arith.extui %sign3A_336 : i1 to i32
          %sign3A_338 = arith.constant 0 : i32
          %sign3A_339 = arith.cmpi slt, %jit3A_328, %sign3A_338 : i32
          %sign3A_340 = arith.extui %sign3A_339 : i1 to i32
          %sign3A_341 = arith.subi %sign3A_337, %sign3A_340 : i32
          %ne3A = arith.cmpi ne, %sign3A_334, %sign3A_341 : i32
          %rem3A = arith.remsi %add3A_327, %jit3A_328 : i32
          %ne3A_342 = arith.constant 0 : i32
          %ne3A_343 = arith.cmpi ne, %rem3A, %ne3A_342 : i32
          %and3A = arith.andi %ne3A, %ne3A_343 : i1
          %sub3A = arith.constant 1 : i32
          %sub3A_344 = arith.subi %div3A, %sub3A : i32
          %select_n3A_345 = arith.select %and3A, %sub3A_344, %div3A : i32
          %mul3A_346 = arith.constant 77 : i32
          %mul3A_347 = arith.muli %select_n3A_345, %mul3A_346 : i32
          %sub3A_348 = arith.subi %add3A_327, %mul3A_347 : i32
          "tpu.region"() ({
            %run_scoped3A = tpu.sem_alloc : memref<!tpu.dma_semaphore, #tpu.memory_space<semaphore_mem>>
            %dma_start3A = arith.constant 0 : i32
            %dma_start3A_349 = tpu.memref_slice %arg4[%select_n3A_345, %sub3A_348, %dma_start3A] : memref<1024x77x768xf32, #tpu.memory_space<hbm>> -> memref<1x1x768xf32, #tpu.memory_space<hbm>>
            %dma_start3A_350 = tpu.memref_squeeze %dma_start3A_349 : memref<1x1x768xf32, #tpu.memory_space<hbm>> -> memref<768xf32, #tpu.memory_space<hbm>>
            %dma_start3A_351 = arith.constant 0 : i32
            %dma_start3A_352 = tpu.memref_slice %arg4[%select_n3A_345, %sub3A_348, %dma_start3A_351] : memref<1024x77x768xf32, #tpu.memory_space<hbm>> -> memref<1x1x768xf32, #tpu.memory_space<hbm>>
            %dma_start3A_353 = tpu.memref_squeeze %dma_start3A_352 : memref<1x1x768xf32, #tpu.memory_space<hbm>> -> memref<768xf32, #tpu.memory_space<hbm>>
            tpu.enqueue_dma source(%arg7 : memref<768xf32, #tpu.memory_space<vmem>>) target(%dma_start3A_353 : memref<768xf32, #tpu.memory_space<hbm>>) target_semaphore(%run_scoped3A : memref<!tpu.dma_semaphore, #tpu.memory_space<semaphore_mem>>)
            %dma_wait3A = arith.constant 0 : i32
            %dma_wait3A_354 = tpu.memref_slice %arg4[%select_n3A_345, %sub3A_348, %dma_wait3A] : memref<1024x77x768xf32, #tpu.memory_space<hbm>> -> memref<1x1x768xf32, #tpu.memory_space<hbm>>
            %dma_wait3A_355 = tpu.memref_squeeze %dma_wait3A_354 : memref<1x1x768xf32, #tpu.memory_space<hbm>> -> memref<768xf32, #tpu.memory_space<hbm>>
            %dma_wait3A_356 = arith.constant 0 : i32
            %dma_wait3A_357 = tpu.memref_slice %arg4[%select_n3A_345, %sub3A_348, %dma_wait3A_356] : memref<1024x77x768xf32, #tpu.memory_space<hbm>> -> memref<1x1x768xf32, #tpu.memory_space<hbm>>
            %dma_wait3A_358 = tpu.memref_squeeze %dma_wait3A_357 : memref<1x1x768xf32, #tpu.memory_space<hbm>> -> memref<768xf32, #tpu.memory_space<hbm>>
            tpu.wait_dma2 semaphore(%run_scoped3A : memref<!tpu.dma_semaphore, #tpu.memory_space<semaphore_mem>>) src(%arg7 : memref<768xf32, #tpu.memory_space<vmem>>) dst(%dma_wait3A_358 : memref<768xf32, #tpu.memory_space<hbm>>)
            tpu.yield
          }) : () -> ()
        } else {
        }
        %eq3A_190 = arith.constant 9 : i32
        %eq3A_191 = vector.broadcast %eq3A_190 : i32 to vector<16xi32>
        %eq3A_192 = arith.cmpi eq, %iota3A, %eq3A_191 : vector<16xi32>
        %jit3A_193 = arith.constant 0 : i32
        %broadcast_in_dim3A_194 = vector.broadcast %jit3A_193 : i32 to vector<16xi32>
        %select_n3A_195 = arith.select %eq3A_192, %get3A_10, %broadcast_in_dim3A_194 : vector<16xi1>, vector<16xi32>
        %reduce_max3A_196 = arith.constant true
        %reduce_max3A_197 = vector.broadcast %reduce_max3A_196 : i1 to vector<16xi1>
        %reduce_max3A_198 = arith.constant -2147483648 : i32
        %reduce_max3A_199 = vector.broadcast %reduce_max3A_198 : i32 to vector<16xi32>
        %reduce_max3A_200 = arith.xori %select_n3A_195, %reduce_max3A_199 : vector<16xi32>
        %reduce_max3A_201 = tpu.scan <max>, %reduce_max3A_200 masked %reduce_max3A_197 : vector<16xi32>, vector<16xi1> -> vector<16xi32>
        %reduce_max3A_202 = arith.xori %reduce_max3A_201, %reduce_max3A_199 : vector<16xi32>
        %reduce_max3A_203 = vector.extract %reduce_max3A_202[15] : i32 from vector<16xi32>
        %eq3A_204 = arith.constant 12345 : i32
        %eq3A_205 = arith.cmpi eq, %reduce_max3A_203, %eq3A_204 : i32
        %convert_element_type3A_206 = arith.extui %eq3A_205 : i1 to i32
        %cond3A_207 = arith.constant 0 : i32
        %cond3A_208 = arith.cmpi ne, %convert_element_type3A_206, %cond3A_207 : i32
        scf.if %cond3A_208 {
          %mul3A_323 = arith.constant 16 : i32
          %mul3A_324 = arith.muli %scan3A_7, %mul3A_323 : i32
          %add3A_325 = arith.addi %mul3A_2, %mul3A_324 : i32
          %add3A_326 = arith.constant 9 : i32
          %add3A_327 = arith.addi %add3A_325, %add3A_326 : i32
          %jit3A_328 = arith.constant 77 : i32
          %div3A = arith.divsi %add3A_327, %jit3A_328 : i32
          %sign3A = arith.constant 0 : i32
          %sign3A_329 = arith.cmpi sgt, %add3A_327, %sign3A : i32
          %sign3A_330 = arith.extui %sign3A_329 : i1 to i32
          %sign3A_331 = arith.constant 0 : i32
          %sign3A_332 = arith.cmpi slt, %add3A_327, %sign3A_331 : i32
          %sign3A_333 = arith.extui %sign3A_332 : i1 to i32
          %sign3A_334 = arith.subi %sign3A_330, %sign3A_333 : i32
          %sign3A_335 = arith.constant 0 : i32
          %sign3A_336 = arith.cmpi sgt, %jit3A_328, %sign3A_335 : i32
          %sign3A_337 = arith.extui %sign3A_336 : i1 to i32
          %sign3A_338 = arith.constant 0 : i32
          %sign3A_339 = arith.cmpi slt, %jit3A_328, %sign3A_338 : i32
          %sign3A_340 = arith.extui %sign3A_339 : i1 to i32
          %sign3A_341 = arith.subi %sign3A_337, %sign3A_340 : i32
          %ne3A = arith.cmpi ne, %sign3A_334, %sign3A_341 : i32
          %rem3A = arith.remsi %add3A_327, %jit3A_328 : i32
          %ne3A_342 = arith.constant 0 : i32
          %ne3A_343 = arith.cmpi ne, %rem3A, %ne3A_342 : i32
          %and3A = arith.andi %ne3A, %ne3A_343 : i1
          %sub3A = arith.constant 1 : i32
          %sub3A_344 = arith.subi %div3A, %sub3A : i32
          %select_n3A_345 = arith.select %and3A, %sub3A_344, %div3A : i32
          %mul3A_346 = arith.constant 77 : i32
          %mul3A_347 = arith.muli %select_n3A_345, %mul3A_346 : i32
          %sub3A_348 = arith.subi %add3A_327, %mul3A_347 : i32
          "tpu.region"() ({
            %run_scoped3A = tpu.sem_alloc : memref<!tpu.dma_semaphore, #tpu.memory_space<semaphore_mem>>
            %dma_start3A = arith.constant 0 : i32
            %dma_start3A_349 = tpu.memref_slice %arg4[%select_n3A_345, %sub3A_348, %dma_start3A] : memref<1024x77x768xf32, #tpu.memory_space<hbm>> -> memref<1x1x768xf32, #tpu.memory_space<hbm>>
            %dma_start3A_350 = tpu.memref_squeeze %dma_start3A_349 : memref<1x1x768xf32, #tpu.memory_space<hbm>> -> memref<768xf32, #tpu.memory_space<hbm>>
            %dma_start3A_351 = arith.constant 0 : i32
            %dma_start3A_352 = tpu.memref_slice %arg4[%select_n3A_345, %sub3A_348, %dma_start3A_351] : memref<1024x77x768xf32, #tpu.memory_space<hbm>> -> memref<1x1x768xf32, #tpu.memory_space<hbm>>
            %dma_start3A_353 = tpu.memref_squeeze %dma_start3A_352 : memref<1x1x768xf32, #tpu.memory_space<hbm>> -> memref<768xf32, #tpu.memory_space<hbm>>
            tpu.enqueue_dma source(%arg7 : memref<768xf32, #tpu.memory_space<vmem>>) target(%dma_start3A_353 : memref<768xf32, #tpu.memory_space<hbm>>) target_semaphore(%run_scoped3A : memref<!tpu.dma_semaphore, #tpu.memory_space<semaphore_mem>>)
            %dma_wait3A = arith.constant 0 : i32
            %dma_wait3A_354 = tpu.memref_slice %arg4[%select_n3A_345, %sub3A_348, %dma_wait3A] : memref<1024x77x768xf32, #tpu.memory_space<hbm>> -> memref<1x1x768xf32, #tpu.memory_space<hbm>>
            %dma_wait3A_355 = tpu.memref_squeeze %dma_wait3A_354 : memref<1x1x768xf32, #tpu.memory_space<hbm>> -> memref<768xf32, #tpu.memory_space<hbm>>
            %dma_wait3A_356 = arith.constant 0 : i32
            %dma_wait3A_357 = tpu.memref_slice %arg4[%select_n3A_345, %sub3A_348, %dma_wait3A_356] : memref<1024x77x768xf32, #tpu.memory_space<hbm>> -> memref<1x1x768xf32, #tpu.memory_space<hbm>>
            %dma_wait3A_358 = tpu.memref_squeeze %dma_wait3A_357 : memref<1x1x768xf32, #tpu.memory_space<hbm>> -> memref<768xf32, #tpu.memory_space<hbm>>
            tpu.wait_dma2 semaphore(%run_scoped3A : memref<!tpu.dma_semaphore, #tpu.memory_space<semaphore_mem>>) src(%arg7 : memref<768xf32, #tpu.memory_space<vmem>>) dst(%dma_wait3A_358 : memref<768xf32, #tpu.memory_space<hbm>>)
            tpu.yield
          }) : () -> ()
        } else {
        }
        %eq3A_209 = arith.constant 10 : i32
        %eq3A_210 = vector.broadcast %eq3A_209 : i32 to vector<16xi32>
        %eq3A_211 = arith.cmpi eq, %iota3A, %eq3A_210 : vector<16xi32>
        %jit3A_212 = arith.constant 0 : i32
        %broadcast_in_dim3A_213 = vector.broadcast %jit3A_212 : i32 to vector<16xi32>
        %select_n3A_214 = arith.select %eq3A_211, %get3A_10, %broadcast_in_dim3A_213 : vector<16xi1>, vector<16xi32>
        %reduce_max3A_215 = arith.constant true
        %reduce_max3A_216 = vector.broadcast %reduce_max3A_215 : i1 to vector<16xi1>
        %reduce_max3A_217 = arith.constant -2147483648 : i32
        %reduce_max3A_218 = vector.broadcast %reduce_max3A_217 : i32 to vector<16xi32>
        %reduce_max3A_219 = arith.xori %select_n3A_214, %reduce_max3A_218 : vector<16xi32>
        %reduce_max3A_220 = tpu.scan <max>, %reduce_max3A_219 masked %reduce_max3A_216 : vector<16xi32>, vector<16xi1> -> vector<16xi32>
        %reduce_max3A_221 = arith.xori %reduce_max3A_220, %reduce_max3A_218 : vector<16xi32>
        %reduce_max3A_222 = vector.extract %reduce_max3A_221[15] : i32 from vector<16xi32>
        %eq3A_223 = arith.constant 12345 : i32
        %eq3A_224 = arith.cmpi eq, %reduce_max3A_222, %eq3A_223 : i32
        %convert_element_type3A_225 = arith.extui %eq3A_224 : i1 to i32
        %cond3A_226 = arith.constant 0 : i32
        %cond3A_227 = arith.cmpi ne, %convert_element_type3A_225, %cond3A_226 : i32
        scf.if %cond3A_227 {
          %mul3A_323 = arith.constant 16 : i32
          %mul3A_324 = arith.muli %scan3A_7, %mul3A_323 : i32
          %add3A_325 = arith.addi %mul3A_2, %mul3A_324 : i32
          %add3A_326 = arith.constant 10 : i32
          %add3A_327 = arith.addi %add3A_325, %add3A_326 : i32
          %jit3A_328 = arith.constant 77 : i32
          %div3A = arith.divsi %add3A_327, %jit3A_328 : i32
          %sign3A = arith.constant 0 : i32
          %sign3A_329 = arith.cmpi sgt, %add3A_327, %sign3A : i32
          %sign3A_330 = arith.extui %sign3A_329 : i1 to i32
          %sign3A_331 = arith.constant 0 : i32
          %sign3A_332 = arith.cmpi slt, %add3A_327, %sign3A_331 : i32
          %sign3A_333 = arith.extui %sign3A_332 : i1 to i32
          %sign3A_334 = arith.subi %sign3A_330, %sign3A_333 : i32
          %sign3A_335 = arith.constant 0 : i32
          %sign3A_336 = arith.cmpi sgt, %jit3A_328, %sign3A_335 : i32
          %sign3A_337 = arith.extui %sign3A_336 : i1 to i32
          %sign3A_338 = arith.constant 0 : i32
          %sign3A_339 = arith.cmpi slt, %jit3A_328, %sign3A_338 : i32
          %sign3A_340 = arith.extui %sign3A_339 : i1 to i32
          %sign3A_341 = arith.subi %sign3A_337, %sign3A_340 : i32
          %ne3A = arith.cmpi ne, %sign3A_334, %sign3A_341 : i32
          %rem3A = arith.remsi %add3A_327, %jit3A_328 : i32
          %ne3A_342 = arith.constant 0 : i32
          %ne3A_343 = arith.cmpi ne, %rem3A, %ne3A_342 : i32
          %and3A = arith.andi %ne3A, %ne3A_343 : i1
          %sub3A = arith.constant 1 : i32
          %sub3A_344 = arith.subi %div3A, %sub3A : i32
          %select_n3A_345 = arith.select %and3A, %sub3A_344, %div3A : i32
          %mul3A_346 = arith.constant 77 : i32
          %mul3A_347 = arith.muli %select_n3A_345, %mul3A_346 : i32
          %sub3A_348 = arith.subi %add3A_327, %mul3A_347 : i32
          "tpu.region"() ({
            %run_scoped3A = tpu.sem_alloc : memref<!tpu.dma_semaphore, #tpu.memory_space<semaphore_mem>>
            %dma_start3A = arith.constant 0 : i32
            %dma_start3A_349 = tpu.memref_slice %arg4[%select_n3A_345, %sub3A_348, %dma_start3A] : memref<1024x77x768xf32, #tpu.memory_space<hbm>> -> memref<1x1x768xf32, #tpu.memory_space<hbm>>
            %dma_start3A_350 = tpu.memref_squeeze %dma_start3A_349 : memref<1x1x768xf32, #tpu.memory_space<hbm>> -> memref<768xf32, #tpu.memory_space<hbm>>
            %dma_start3A_351 = arith.constant 0 : i32
            %dma_start3A_352 = tpu.memref_slice %arg4[%select_n3A_345, %sub3A_348, %dma_start3A_351] : memref<1024x77x768xf32, #tpu.memory_space<hbm>> -> memref<1x1x768xf32, #tpu.memory_space<hbm>>
            %dma_start3A_353 = tpu.memref_squeeze %dma_start3A_352 : memref<1x1x768xf32, #tpu.memory_space<hbm>> -> memref<768xf32, #tpu.memory_space<hbm>>
            tpu.enqueue_dma source(%arg7 : memref<768xf32, #tpu.memory_space<vmem>>) target(%dma_start3A_353 : memref<768xf32, #tpu.memory_space<hbm>>) target_semaphore(%run_scoped3A : memref<!tpu.dma_semaphore, #tpu.memory_space<semaphore_mem>>)
            %dma_wait3A = arith.constant 0 : i32
            %dma_wait3A_354 = tpu.memref_slice %arg4[%select_n3A_345, %sub3A_348, %dma_wait3A] : memref<1024x77x768xf32, #tpu.memory_space<hbm>> -> memref<1x1x768xf32, #tpu.memory_space<hbm>>
            %dma_wait3A_355 = tpu.memref_squeeze %dma_wait3A_354 : memref<1x1x768xf32, #tpu.memory_space<hbm>> -> memref<768xf32, #tpu.memory_space<hbm>>
            %dma_wait3A_356 = arith.constant 0 : i32
            %dma_wait3A_357 = tpu.memref_slice %arg4[%select_n3A_345, %sub3A_348, %dma_wait3A_356] : memref<1024x77x768xf32, #tpu.memory_space<hbm>> -> memref<1x1x768xf32, #tpu.memory_space<hbm>>
            %dma_wait3A_358 = tpu.memref_squeeze %dma_wait3A_357 : memref<1x1x768xf32, #tpu.memory_space<hbm>> -> memref<768xf32, #tpu.memory_space<hbm>>
            tpu.wait_dma2 semaphore(%run_scoped3A : memref<!tpu.dma_semaphore, #tpu.memory_space<semaphore_mem>>) src(%arg7 : memref<768xf32, #tpu.memory_space<vmem>>) dst(%dma_wait3A_358 : memref<768xf32, #tpu.memory_space<hbm>>)
            tpu.yield
          }) : () -> ()
        } else {
        }
        %eq3A_228 = arith.constant 11 : i32
        %eq3A_229 = vector.broadcast %eq3A_228 : i32 to vector<16xi32>
        %eq3A_230 = arith.cmpi eq, %iota3A, %eq3A_229 : vector<16xi32>
        %jit3A_231 = arith.constant 0 : i32
        %broadcast_in_dim3A_232 = vector.broadcast %jit3A_231 : i32 to vector<16xi32>
        %select_n3A_233 = arith.select %eq3A_230, %get3A_10, %broadcast_in_dim3A_232 : vector<16xi1>, vector<16xi32>
        %reduce_max3A_234 = arith.constant true
        %reduce_max3A_235 = vector.broadcast %reduce_max3A_234 : i1 to vector<16xi1>
        %reduce_max3A_236 = arith.constant -2147483648 : i32
        %reduce_max3A_237 = vector.broadcast %reduce_max3A_236 : i32 to vector<16xi32>
        %reduce_max3A_238 = arith.xori %select_n3A_233, %reduce_max3A_237 : vector<16xi32>
        %reduce_max3A_239 = tpu.scan <max>, %reduce_max3A_238 masked %reduce_max3A_235 : vector<16xi32>, vector<16xi1> -> vector<16xi32>
        %reduce_max3A_240 = arith.xori %reduce_max3A_239, %reduce_max3A_237 : vector<16xi32>
        %reduce_max3A_241 = vector.extract %reduce_max3A_240[15] : i32 from vector<16xi32>
        %eq3A_242 = arith.constant 12345 : i32
        %eq3A_243 = arith.cmpi eq, %reduce_max3A_241, %eq3A_242 : i32
        %convert_element_type3A_244 = arith.extui %eq3A_243 : i1 to i32
        %cond3A_245 = arith.constant 0 : i32
        %cond3A_246 = arith.cmpi ne, %convert_element_type3A_244, %cond3A_245 : i32
        scf.if %cond3A_246 {
          %mul3A_323 = arith.constant 16 : i32
          %mul3A_324 = arith.muli %scan3A_7, %mul3A_323 : i32
          %add3A_325 = arith.addi %mul3A_2, %mul3A_324 : i32
          %add3A_326 = arith.constant 11 : i32
          %add3A_327 = arith.addi %add3A_325, %add3A_326 : i32
          %jit3A_328 = arith.constant 77 : i32
          %div3A = arith.divsi %add3A_327, %jit3A_328 : i32
          %sign3A = arith.constant 0 : i32
          %sign3A_329 = arith.cmpi sgt, %add3A_327, %sign3A : i32
          %sign3A_330 = arith.extui %sign3A_329 : i1 to i32
          %sign3A_331 = arith.constant 0 : i32
          %sign3A_332 = arith.cmpi slt, %add3A_327, %sign3A_331 : i32
          %sign3A_333 = arith.extui %sign3A_332 : i1 to i32
          %sign3A_334 = arith.subi %sign3A_330, %sign3A_333 : i32
          %sign3A_335 = arith.constant 0 : i32
          %sign3A_336 = arith.cmpi sgt, %jit3A_328, %sign3A_335 : i32
          %sign3A_337 = arith.extui %sign3A_336 : i1 to i32
          %sign3A_338 = arith.constant 0 : i32
          %sign3A_339 = arith.cmpi slt, %jit3A_328, %sign3A_338 : i32
          %sign3A_340 = arith.extui %sign3A_339 : i1 to i32
          %sign3A_341 = arith.subi %sign3A_337, %sign3A_340 : i32
          %ne3A = arith.cmpi ne, %sign3A_334, %sign3A_341 : i32
          %rem3A = arith.remsi %add3A_327, %jit3A_328 : i32
          %ne3A_342 = arith.constant 0 : i32
          %ne3A_343 = arith.cmpi ne, %rem3A, %ne3A_342 : i32
          %and3A = arith.andi %ne3A, %ne3A_343 : i1
          %sub3A = arith.constant 1 : i32
          %sub3A_344 = arith.subi %div3A, %sub3A : i32
          %select_n3A_345 = arith.select %and3A, %sub3A_344, %div3A : i32
          %mul3A_346 = arith.constant 77 : i32
          %mul3A_347 = arith.muli %select_n3A_345, %mul3A_346 : i32
          %sub3A_348 = arith.subi %add3A_327, %mul3A_347 : i32
          "tpu.region"() ({
            %run_scoped3A = tpu.sem_alloc : memref<!tpu.dma_semaphore, #tpu.memory_space<semaphore_mem>>
            %dma_start3A = arith.constant 0 : i32
            %dma_start3A_349 = tpu.memref_slice %arg4[%select_n3A_345, %sub3A_348, %dma_start3A] : memref<1024x77x768xf32, #tpu.memory_space<hbm>> -> memref<1x1x768xf32, #tpu.memory_space<hbm>>
            %dma_start3A_350 = tpu.memref_squeeze %dma_start3A_349 : memref<1x1x768xf32, #tpu.memory_space<hbm>> -> memref<768xf32, #tpu.memory_space<hbm>>
            %dma_start3A_351 = arith.constant 0 : i32
            %dma_start3A_352 = tpu.memref_slice %arg4[%select_n3A_345, %sub3A_348, %dma_start3A_351] : memref<1024x77x768xf32, #tpu.memory_space<hbm>> -> memref<1x1x768xf32, #tpu.memory_space<hbm>>
            %dma_start3A_353 = tpu.memref_squeeze %dma_start3A_352 : memref<1x1x768xf32, #tpu.memory_space<hbm>> -> memref<768xf32, #tpu.memory_space<hbm>>
            tpu.enqueue_dma source(%arg7 : memref<768xf32, #tpu.memory_space<vmem>>) target(%dma_start3A_353 : memref<768xf32, #tpu.memory_space<hbm>>) target_semaphore(%run_scoped3A : memref<!tpu.dma_semaphore, #tpu.memory_space<semaphore_mem>>)
            %dma_wait3A = arith.constant 0 : i32
            %dma_wait3A_354 = tpu.memref_slice %arg4[%select_n3A_345, %sub3A_348, %dma_wait3A] : memref<1024x77x768xf32, #tpu.memory_space<hbm>> -> memref<1x1x768xf32, #tpu.memory_space<hbm>>
            %dma_wait3A_355 = tpu.memref_squeeze %dma_wait3A_354 : memref<1x1x768xf32, #tpu.memory_space<hbm>> -> memref<768xf32, #tpu.memory_space<hbm>>
            %dma_wait3A_356 = arith.constant 0 : i32
            %dma_wait3A_357 = tpu.memref_slice %arg4[%select_n3A_345, %sub3A_348, %dma_wait3A_356] : memref<1024x77x768xf32, #tpu.memory_space<hbm>> -> memref<1x1x768xf32, #tpu.memory_space<hbm>>
            %dma_wait3A_358 = tpu.memref_squeeze %dma_wait3A_357 : memref<1x1x768xf32, #tpu.memory_space<hbm>> -> memref<768xf32, #tpu.memory_space<hbm>>
            tpu.wait_dma2 semaphore(%run_scoped3A : memref<!tpu.dma_semaphore, #tpu.memory_space<semaphore_mem>>) src(%arg7 : memref<768xf32, #tpu.memory_space<vmem>>) dst(%dma_wait3A_358 : memref<768xf32, #tpu.memory_space<hbm>>)
            tpu.yield
          }) : () -> ()
        } else {
        }
        %eq3A_247 = arith.constant 12 : i32
        %eq3A_248 = vector.broadcast %eq3A_247 : i32 to vector<16xi32>
        %eq3A_249 = arith.cmpi eq, %iota3A, %eq3A_248 : vector<16xi32>
        %jit3A_250 = arith.constant 0 : i32
        %broadcast_in_dim3A_251 = vector.broadcast %jit3A_250 : i32 to vector<16xi32>
        %select_n3A_252 = arith.select %eq3A_249, %get3A_10, %broadcast_in_dim3A_251 : vector<16xi1>, vector<16xi32>
        %reduce_max3A_253 = arith.constant true
        %reduce_max3A_254 = vector.broadcast %reduce_max3A_253 : i1 to vector<16xi1>
        %reduce_max3A_255 = arith.constant -2147483648 : i32
        %reduce_max3A_256 = vector.broadcast %reduce_max3A_255 : i32 to vector<16xi32>
        %reduce_max3A_257 = arith.xori %select_n3A_252, %reduce_max3A_256 : vector<16xi32>
        %reduce_max3A_258 = tpu.scan <max>, %reduce_max3A_257 masked %reduce_max3A_254 : vector<16xi32>, vector<16xi1> -> vector<16xi32>
        %reduce_max3A_259 = arith.xori %reduce_max3A_258, %reduce_max3A_256 : vector<16xi32>
        %reduce_max3A_260 = vector.extract %reduce_max3A_259[15] : i32 from vector<16xi32>
        %eq3A_261 = arith.constant 12345 : i32
        %eq3A_262 = arith.cmpi eq, %reduce_max3A_260, %eq3A_261 : i32
        %convert_element_type3A_263 = arith.extui %eq3A_262 : i1 to i32
        %cond3A_264 = arith.constant 0 : i32
        %cond3A_265 = arith.cmpi ne, %convert_element_type3A_263, %cond3A_264 : i32
        scf.if %cond3A_265 {
          %mul3A_323 = arith.constant 16 : i32
          %mul3A_324 = arith.muli %scan3A_7, %mul3A_323 : i32
          %add3A_325 = arith.addi %mul3A_2, %mul3A_324 : i32
          %add3A_326 = arith.constant 12 : i32
          %add3A_327 = arith.addi %add3A_325, %add3A_326 : i32
          %jit3A_328 = arith.constant 77 : i32
          %div3A = arith.divsi %add3A_327, %jit3A_328 : i32
          %sign3A = arith.constant 0 : i32
          %sign3A_329 = arith.cmpi sgt, %add3A_327, %sign3A : i32
          %sign3A_330 = arith.extui %sign3A_329 : i1 to i32
          %sign3A_331 = arith.constant 0 : i32
          %sign3A_332 = arith.cmpi slt, %add3A_327, %sign3A_331 : i32
          %sign3A_333 = arith.extui %sign3A_332 : i1 to i32
          %sign3A_334 = arith.subi %sign3A_330, %sign3A_333 : i32
          %sign3A_335 = arith.constant 0 : i32
          %sign3A_336 = arith.cmpi sgt, %jit3A_328, %sign3A_335 : i32
          %sign3A_337 = arith.extui %sign3A_336 : i1 to i32
          %sign3A_338 = arith.constant 0 : i32
          %sign3A_339 = arith.cmpi slt, %jit3A_328, %sign3A_338 : i32
          %sign3A_340 = arith.extui %sign3A_339 : i1 to i32
          %sign3A_341 = arith.subi %sign3A_337, %sign3A_340 : i32
          %ne3A = arith.cmpi ne, %sign3A_334, %sign3A_341 : i32
          %rem3A = arith.remsi %add3A_327, %jit3A_328 : i32
          %ne3A_342 = arith.constant 0 : i32
          %ne3A_343 = arith.cmpi ne, %rem3A, %ne3A_342 : i32
          %and3A = arith.andi %ne3A, %ne3A_343 : i1
          %sub3A = arith.constant 1 : i32
          %sub3A_344 = arith.subi %div3A, %sub3A : i32
          %select_n3A_345 = arith.select %and3A, %sub3A_344, %div3A : i32
          %mul3A_346 = arith.constant 77 : i32
          %mul3A_347 = arith.muli %select_n3A_345, %mul3A_346 : i32
          %sub3A_348 = arith.subi %add3A_327, %mul3A_347 : i32
          "tpu.region"() ({
            %run_scoped3A = tpu.sem_alloc : memref<!tpu.dma_semaphore, #tpu.memory_space<semaphore_mem>>
            %dma_start3A = arith.constant 0 : i32
            %dma_start3A_349 = tpu.memref_slice %arg4[%select_n3A_345, %sub3A_348, %dma_start3A] : memref<1024x77x768xf32, #tpu.memory_space<hbm>> -> memref<1x1x768xf32, #tpu.memory_space<hbm>>
            %dma_start3A_350 = tpu.memref_squeeze %dma_start3A_349 : memref<1x1x768xf32, #tpu.memory_space<hbm>> -> memref<768xf32, #tpu.memory_space<hbm>>
            %dma_start3A_351 = arith.constant 0 : i32
            %dma_start3A_352 = tpu.memref_slice %arg4[%select_n3A_345, %sub3A_348, %dma_start3A_351] : memref<1024x77x768xf32, #tpu.memory_space<hbm>> -> memref<1x1x768xf32, #tpu.memory_space<hbm>>
            %dma_start3A_353 = tpu.memref_squeeze %dma_start3A_352 : memref<1x1x768xf32, #tpu.memory_space<hbm>> -> memref<768xf32, #tpu.memory_space<hbm>>
            tpu.enqueue_dma source(%arg7 : memref<768xf32, #tpu.memory_space<vmem>>) target(%dma_start3A_353 : memref<768xf32, #tpu.memory_space<hbm>>) target_semaphore(%run_scoped3A : memref<!tpu.dma_semaphore, #tpu.memory_space<semaphore_mem>>)
            %dma_wait3A = arith.constant 0 : i32
            %dma_wait3A_354 = tpu.memref_slice %arg4[%select_n3A_345, %sub3A_348, %dma_wait3A] : memref<1024x77x768xf32, #tpu.memory_space<hbm>> -> memref<1x1x768xf32, #tpu.memory_space<hbm>>
            %dma_wait3A_355 = tpu.memref_squeeze %dma_wait3A_354 : memref<1x1x768xf32, #tpu.memory_space<hbm>> -> memref<768xf32, #tpu.memory_space<hbm>>
            %dma_wait3A_356 = arith.constant 0 : i32
            %dma_wait3A_357 = tpu.memref_slice %arg4[%select_n3A_345, %sub3A_348, %dma_wait3A_356] : memref<1024x77x768xf32, #tpu.memory_space<hbm>> -> memref<1x1x768xf32, #tpu.memory_space<hbm>>
            %dma_wait3A_358 = tpu.memref_squeeze %dma_wait3A_357 : memref<1x1x768xf32, #tpu.memory_space<hbm>> -> memref<768xf32, #tpu.memory_space<hbm>>
            tpu.wait_dma2 semaphore(%run_scoped3A : memref<!tpu.dma_semaphore, #tpu.memory_space<semaphore_mem>>) src(%arg7 : memref<768xf32, #tpu.memory_space<vmem>>) dst(%dma_wait3A_358 : memref<768xf32, #tpu.memory_space<hbm>>)
            tpu.yield
          }) : () -> ()
        } else {
        }
        %eq3A_266 = arith.constant 13 : i32
        %eq3A_267 = vector.broadcast %eq3A_266 : i32 to vector<16xi32>
        %eq3A_268 = arith.cmpi eq, %iota3A, %eq3A_267 : vector<16xi32>
        %jit3A_269 = arith.constant 0 : i32
        %broadcast_in_dim3A_270 = vector.broadcast %jit3A_269 : i32 to vector<16xi32>
        %select_n3A_271 = arith.select %eq3A_268, %get3A_10, %broadcast_in_dim3A_270 : vector<16xi1>, vector<16xi32>
        %reduce_max3A_272 = arith.constant true
        %reduce_max3A_273 = vector.broadcast %reduce_max3A_272 : i1 to vector<16xi1>
        %reduce_max3A_274 = arith.constant -2147483648 : i32
        %reduce_max3A_275 = vector.broadcast %reduce_max3A_274 : i32 to vector<16xi32>
        %reduce_max3A_276 = arith.xori %select_n3A_271, %reduce_max3A_275 : vector<16xi32>
        %reduce_max3A_277 = tpu.scan <max>, %reduce_max3A_276 masked %reduce_max3A_273 : vector<16xi32>, vector<16xi1> -> vector<16xi32>
        %reduce_max3A_278 = arith.xori %reduce_max3A_277, %reduce_max3A_275 : vector<16xi32>
        %reduce_max3A_279 = vector.extract %reduce_max3A_278[15] : i32 from vector<16xi32>
        %eq3A_280 = arith.constant 12345 : i32
        %eq3A_281 = arith.cmpi eq, %reduce_max3A_279, %eq3A_280 : i32
        %convert_element_type3A_282 = arith.extui %eq3A_281 : i1 to i32
        %cond3A_283 = arith.constant 0 : i32
        %cond3A_284 = arith.cmpi ne, %convert_element_type3A_282, %cond3A_283 : i32
        scf.if %cond3A_284 {
          %mul3A_323 = arith.constant 16 : i32
          %mul3A_324 = arith.muli %scan3A_7, %mul3A_323 : i32
          %add3A_325 = arith.addi %mul3A_2, %mul3A_324 : i32
          %add3A_326 = arith.constant 13 : i32
          %add3A_327 = arith.addi %add3A_325, %add3A_326 : i32
          %jit3A_328 = arith.constant 77 : i32
          %div3A = arith.divsi %add3A_327, %jit3A_328 : i32
          %sign3A = arith.constant 0 : i32
          %sign3A_329 = arith.cmpi sgt, %add3A_327, %sign3A : i32
          %sign3A_330 = arith.extui %sign3A_329 : i1 to i32
          %sign3A_331 = arith.constant 0 : i32
          %sign3A_332 = arith.cmpi slt, %add3A_327, %sign3A_331 : i32
          %sign3A_333 = arith.extui %sign3A_332 : i1 to i32
          %sign3A_334 = arith.subi %sign3A_330, %sign3A_333 : i32
          %sign3A_335 = arith.constant 0 : i32
          %sign3A_336 = arith.cmpi sgt, %jit3A_328, %sign3A_335 : i32
          %sign3A_337 = arith.extui %sign3A_336 : i1 to i32
          %sign3A_338 = arith.constant 0 : i32
          %sign3A_339 = arith.cmpi slt, %jit3A_328, %sign3A_338 : i32
          %sign3A_340 = arith.extui %sign3A_339 : i1 to i32
          %sign3A_341 = arith.subi %sign3A_337, %sign3A_340 : i32
          %ne3A = arith.cmpi ne, %sign3A_334, %sign3A_341 : i32
          %rem3A = arith.remsi %add3A_327, %jit3A_328 : i32
          %ne3A_342 = arith.constant 0 : i32
          %ne3A_343 = arith.cmpi ne, %rem3A, %ne3A_342 : i32
          %and3A = arith.andi %ne3A, %ne3A_343 : i1
          %sub3A = arith.constant 1 : i32
          %sub3A_344 = arith.subi %div3A, %sub3A : i32
          %select_n3A_345 = arith.select %and3A, %sub3A_344, %div3A : i32
          %mul3A_346 = arith.constant 77 : i32
          %mul3A_347 = arith.muli %select_n3A_345, %mul3A_346 : i32
          %sub3A_348 = arith.subi %add3A_327, %mul3A_347 : i32
          "tpu.region"() ({
            %run_scoped3A = tpu.sem_alloc : memref<!tpu.dma_semaphore, #tpu.memory_space<semaphore_mem>>
            %dma_start3A = arith.constant 0 : i32
            %dma_start3A_349 = tpu.memref_slice %arg4[%select_n3A_345, %sub3A_348, %dma_start3A] : memref<1024x77x768xf32, #tpu.memory_space<hbm>> -> memref<1x1x768xf32, #tpu.memory_space<hbm>>
            %dma_start3A_350 = tpu.memref_squeeze %dma_start3A_349 : memref<1x1x768xf32, #tpu.memory_space<hbm>> -> memref<768xf32, #tpu.memory_space<hbm>>
            %dma_start3A_351 = arith.constant 0 : i32
            %dma_start3A_352 = tpu.memref_slice %arg4[%select_n3A_345, %sub3A_348, %dma_start3A_351] : memref<1024x77x768xf32, #tpu.memory_space<hbm>> -> memref<1x1x768xf32, #tpu.memory_space<hbm>>
            %dma_start3A_353 = tpu.memref_squeeze %dma_start3A_352 : memref<1x1x768xf32, #tpu.memory_space<hbm>> -> memref<768xf32, #tpu.memory_space<hbm>>
            tpu.enqueue_dma source(%arg7 : memref<768xf32, #tpu.memory_space<vmem>>) target(%dma_start3A_353 : memref<768xf32, #tpu.memory_space<hbm>>) target_semaphore(%run_scoped3A : memref<!tpu.dma_semaphore, #tpu.memory_space<semaphore_mem>>)
            %dma_wait3A = arith.constant 0 : i32
            %dma_wait3A_354 = tpu.memref_slice %arg4[%select_n3A_345, %sub3A_348, %dma_wait3A] : memref<1024x77x768xf32, #tpu.memory_space<hbm>> -> memref<1x1x768xf32, #tpu.memory_space<hbm>>
            %dma_wait3A_355 = tpu.memref_squeeze %dma_wait3A_354 : memref<1x1x768xf32, #tpu.memory_space<hbm>> -> memref<768xf32, #tpu.memory_space<hbm>>
            %dma_wait3A_356 = arith.constant 0 : i32
            %dma_wait3A_357 = tpu.memref_slice %arg4[%select_n3A_345, %sub3A_348, %dma_wait3A_356] : memref<1024x77x768xf32, #tpu.memory_space<hbm>> -> memref<1x1x768xf32, #tpu.memory_space<hbm>>
            %dma_wait3A_358 = tpu.memref_squeeze %dma_wait3A_357 : memref<1x1x768xf32, #tpu.memory_space<hbm>> -> memref<768xf32, #tpu.memory_space<hbm>>
            tpu.wait_dma2 semaphore(%run_scoped3A : memref<!tpu.dma_semaphore, #tpu.memory_space<semaphore_mem>>) src(%arg7 : memref<768xf32, #tpu.memory_space<vmem>>) dst(%dma_wait3A_358 : memref<768xf32, #tpu.memory_space<hbm>>)
            tpu.yield
          }) : () -> ()
        } else {
        }
        %eq3A_285 = arith.constant 14 : i32
        %eq3A_286 = vector.broadcast %eq3A_285 : i32 to vector<16xi32>
        %eq3A_287 = arith.cmpi eq, %iota3A, %eq3A_286 : vector<16xi32>
        %jit3A_288 = arith.constant 0 : i32
        %broadcast_in_dim3A_289 = vector.broadcast %jit3A_288 : i32 to vector<16xi32>
        %select_n3A_290 = arith.select %eq3A_287, %get3A_10, %broadcast_in_dim3A_289 : vector<16xi1>, vector<16xi32>
        %reduce_max3A_291 = arith.constant true
        %reduce_max3A_292 = vector.broadcast %reduce_max3A_291 : i1 to vector<16xi1>
        %reduce_max3A_293 = arith.constant -2147483648 : i32
        %reduce_max3A_294 = vector.broadcast %reduce_max3A_293 : i32 to vector<16xi32>
        %reduce_max3A_295 = arith.xori %select_n3A_290, %reduce_max3A_294 : vector<16xi32>
        %reduce_max3A_296 = tpu.scan <max>, %reduce_max3A_295 masked %reduce_max3A_292 : vector<16xi32>, vector<16xi1> -> vector<16xi32>
        %reduce_max3A_297 = arith.xori %reduce_max3A_296, %reduce_max3A_294 : vector<16xi32>
        %reduce_max3A_298 = vector.extract %reduce_max3A_297[15] : i32 from vector<16xi32>
        %eq3A_299 = arith.constant 12345 : i32
        %eq3A_300 = arith.cmpi eq, %reduce_max3A_298, %eq3A_299 : i32
        %convert_element_type3A_301 = arith.extui %eq3A_300 : i1 to i32
        %cond3A_302 = arith.constant 0 : i32
        %cond3A_303 = arith.cmpi ne, %convert_element_type3A_301, %cond3A_302 : i32
        scf.if %cond3A_303 {
          %mul3A_323 = arith.constant 16 : i32
          %mul3A_324 = arith.muli %scan3A_7, %mul3A_323 : i32
          %add3A_325 = arith.addi %mul3A_2, %mul3A_324 : i32
          %add3A_326 = arith.constant 14 : i32
          %add3A_327 = arith.addi %add3A_325, %add3A_326 : i32
          %jit3A_328 = arith.constant 77 : i32
          %div3A = arith.divsi %add3A_327, %jit3A_328 : i32
          %sign3A = arith.constant 0 : i32
          %sign3A_329 = arith.cmpi sgt, %add3A_327, %sign3A : i32
          %sign3A_330 = arith.extui %sign3A_329 : i1 to i32
          %sign3A_331 = arith.constant 0 : i32
          %sign3A_332 = arith.cmpi slt, %add3A_327, %sign3A_331 : i32
          %sign3A_333 = arith.extui %sign3A_332 : i1 to i32
          %sign3A_334 = arith.subi %sign3A_330, %sign3A_333 : i32
          %sign3A_335 = arith.constant 0 : i32
          %sign3A_336 = arith.cmpi sgt, %jit3A_328, %sign3A_335 : i32
          %sign3A_337 = arith.extui %sign3A_336 : i1 to i32
          %sign3A_338 = arith.constant 0 : i32
          %sign3A_339 = arith.cmpi slt, %jit3A_328, %sign3A_338 : i32
          %sign3A_340 = arith.extui %sign3A_339 : i1 to i32
          %sign3A_341 = arith.subi %sign3A_337, %sign3A_340 : i32
          %ne3A = arith.cmpi ne, %sign3A_334, %sign3A_341 : i32
          %rem3A = arith.remsi %add3A_327, %jit3A_328 : i32
          %ne3A_342 = arith.constant 0 : i32
          %ne3A_343 = arith.cmpi ne, %rem3A, %ne3A_342 : i32
          %and3A = arith.andi %ne3A, %ne3A_343 : i1
          %sub3A = arith.constant 1 : i32
          %sub3A_344 = arith.subi %div3A, %sub3A : i32
          %select_n3A_345 = arith.select %and3A, %sub3A_344, %div3A : i32
          %mul3A_346 = arith.constant 77 : i32
          %mul3A_347 = arith.muli %select_n3A_345, %mul3A_346 : i32
          %sub3A_348 = arith.subi %add3A_327, %mul3A_347 : i32
          "tpu.region"() ({
            %run_scoped3A = tpu.sem_alloc : memref<!tpu.dma_semaphore, #tpu.memory_space<semaphore_mem>>
            %dma_start3A = arith.constant 0 : i32
            %dma_start3A_349 = tpu.memref_slice %arg4[%select_n3A_345, %sub3A_348, %dma_start3A] : memref<1024x77x768xf32, #tpu.memory_space<hbm>> -> memref<1x1x768xf32, #tpu.memory_space<hbm>>
            %dma_start3A_350 = tpu.memref_squeeze %dma_start3A_349 : memref<1x1x768xf32, #tpu.memory_space<hbm>> -> memref<768xf32, #tpu.memory_space<hbm>>
            %dma_start3A_351 = arith.constant 0 : i32
            %dma_start3A_352 = tpu.memref_slice %arg4[%select_n3A_345, %sub3A_348, %dma_start3A_351] : memref<1024x77x768xf32, #tpu.memory_space<hbm>> -> memref<1x1x768xf32, #tpu.memory_space<hbm>>
            %dma_start3A_353 = tpu.memref_squeeze %dma_start3A_352 : memref<1x1x768xf32, #tpu.memory_space<hbm>> -> memref<768xf32, #tpu.memory_space<hbm>>
            tpu.enqueue_dma source(%arg7 : memref<768xf32, #tpu.memory_space<vmem>>) target(%dma_start3A_353 : memref<768xf32, #tpu.memory_space<hbm>>) target_semaphore(%run_scoped3A : memref<!tpu.dma_semaphore, #tpu.memory_space<semaphore_mem>>)
            %dma_wait3A = arith.constant 0 : i32
            %dma_wait3A_354 = tpu.memref_slice %arg4[%select_n3A_345, %sub3A_348, %dma_wait3A] : memref<1024x77x768xf32, #tpu.memory_space<hbm>> -> memref<1x1x768xf32, #tpu.memory_space<hbm>>
            %dma_wait3A_355 = tpu.memref_squeeze %dma_wait3A_354 : memref<1x1x768xf32, #tpu.memory_space<hbm>> -> memref<768xf32, #tpu.memory_space<hbm>>
            %dma_wait3A_356 = arith.constant 0 : i32
            %dma_wait3A_357 = tpu.memref_slice %arg4[%select_n3A_345, %sub3A_348, %dma_wait3A_356] : memref<1024x77x768xf32, #tpu.memory_space<hbm>> -> memref<1x1x768xf32, #tpu.memory_space<hbm>>
            %dma_wait3A_358 = tpu.memref_squeeze %dma_wait3A_357 : memref<1x1x768xf32, #tpu.memory_space<hbm>> -> memref<768xf32, #tpu.memory_space<hbm>>
            tpu.wait_dma2 semaphore(%run_scoped3A : memref<!tpu.dma_semaphore, #tpu.memory_space<semaphore_mem>>) src(%arg7 : memref<768xf32, #tpu.memory_space<vmem>>) dst(%dma_wait3A_358 : memref<768xf32, #tpu.memory_space<hbm>>)
            tpu.yield
          }) : () -> ()
        } else {
        }
        %eq3A_304 = arith.constant 15 : i32
        %eq3A_305 = vector.broadcast %eq3A_304 : i32 to vector<16xi32>
        %eq3A_306 = arith.cmpi eq, %iota3A, %eq3A_305 : vector<16xi32>
        %jit3A_307 = arith.constant 0 : i32
        %broadcast_in_dim3A_308 = vector.broadcast %jit3A_307 : i32 to vector<16xi32>
        %select_n3A_309 = arith.select %eq3A_306, %get3A_10, %broadcast_in_dim3A_308 : vector<16xi1>, vector<16xi32>
        %reduce_max3A_310 = arith.constant true
        %reduce_max3A_311 = vector.broadcast %reduce_max3A_310 : i1 to vector<16xi1>
        %reduce_max3A_312 = arith.constant -2147483648 : i32
        %reduce_max3A_313 = vector.broadcast %reduce_max3A_312 : i32 to vector<16xi32>
        %reduce_max3A_314 = arith.xori %select_n3A_309, %reduce_max3A_313 : vector<16xi32>
        %reduce_max3A_315 = tpu.scan <max>, %reduce_max3A_314 masked %reduce_max3A_311 : vector<16xi32>, vector<16xi1> -> vector<16xi32>
        %reduce_max3A_316 = arith.xori %reduce_max3A_315, %reduce_max3A_313 : vector<16xi32>
        %reduce_max3A_317 = vector.extract %reduce_max3A_316[15] : i32 from vector<16xi32>
        %eq3A_318 = arith.constant 12345 : i32
        %eq3A_319 = arith.cmpi eq, %reduce_max3A_317, %eq3A_318 : i32
        %convert_element_type3A_320 = arith.extui %eq3A_319 : i1 to i32
        %cond3A_321 = arith.constant 0 : i32
        %cond3A_322 = arith.cmpi ne, %convert_element_type3A_320, %cond3A_321 : i32
        scf.if %cond3A_322 {
          %mul3A_323 = arith.constant 16 : i32
          %mul3A_324 = arith.muli %scan3A_7, %mul3A_323 : i32
          %add3A_325 = arith.addi %mul3A_2, %mul3A_324 : i32
          %add3A_326 = arith.constant 15 : i32
          %add3A_327 = arith.addi %add3A_325, %add3A_326 : i32
          %jit3A_328 = arith.constant 77 : i32
          %div3A = arith.divsi %add3A_327, %jit3A_328 : i32
          %sign3A = arith.constant 0 : i32
          %sign3A_329 = arith.cmpi sgt, %add3A_327, %sign3A : i32
          %sign3A_330 = arith.extui %sign3A_329 : i1 to i32
          %sign3A_331 = arith.constant 0 : i32
          %sign3A_332 = arith.cmpi slt, %add3A_327, %sign3A_331 : i32
          %sign3A_333 = arith.extui %sign3A_332 : i1 to i32
          %sign3A_334 = arith.subi %sign3A_330, %sign3A_333 : i32
          %sign3A_335 = arith.constant 0 : i32
          %sign3A_336 = arith.cmpi sgt, %jit3A_328, %sign3A_335 : i32
          %sign3A_337 = arith.extui %sign3A_336 : i1 to i32
          %sign3A_338 = arith.constant 0 : i32
          %sign3A_339 = arith.cmpi slt, %jit3A_328, %sign3A_338 : i32
          %sign3A_340 = arith.extui %sign3A_339 : i1 to i32
          %sign3A_341 = arith.subi %sign3A_337, %sign3A_340 : i32
          %ne3A = arith.cmpi ne, %sign3A_334, %sign3A_341 : i32
          %rem3A = arith.remsi %add3A_327, %jit3A_328 : i32
          %ne3A_342 = arith.constant 0 : i32
          %ne3A_343 = arith.cmpi ne, %rem3A, %ne3A_342 : i32
          %and3A = arith.andi %ne3A, %ne3A_343 : i1
          %sub3A = arith.constant 1 : i32
          %sub3A_344 = arith.subi %div3A, %sub3A : i32
          %select_n3A_345 = arith.select %and3A, %sub3A_344, %div3A : i32
          %mul3A_346 = arith.constant 77 : i32
          %mul3A_347 = arith.muli %select_n3A_345, %mul3A_346 : i32
          %sub3A_348 = arith.subi %add3A_327, %mul3A_347 : i32
          "tpu.region"() ({
            %run_scoped3A = tpu.sem_alloc : memref<!tpu.dma_semaphore, #tpu.memory_space<semaphore_mem>>
            %dma_start3A = arith.constant 0 : i32
            %dma_start3A_349 = tpu.memref_slice %arg4[%select_n3A_345, %sub3A_348, %dma_start3A] : memref<1024x77x768xf32, #tpu.memory_space<hbm>> -> memref<1x1x768xf32, #tpu.memory_space<hbm>>
            %dma_start3A_350 = tpu.memref_squeeze %dma_start3A_349 : memref<1x1x768xf32, #tpu.memory_space<hbm>> -> memref<768xf32, #tpu.memory_space<hbm>>
            %dma_start3A_351 = arith.constant 0 : i32
            %dma_start3A_352 = tpu.memref_slice %arg4[%select_n3A_345, %sub3A_348, %dma_start3A_351] : memref<1024x77x768xf32, #tpu.memory_space<hbm>> -> memref<1x1x768xf32, #tpu.memory_space<hbm>>
            %dma_start3A_353 = tpu.memref_squeeze %dma_start3A_352 : memref<1x1x768xf32, #tpu.memory_space<hbm>> -> memref<768xf32, #tpu.memory_space<hbm>>
            tpu.enqueue_dma source(%arg7 : memref<768xf32, #tpu.memory_space<vmem>>) target(%dma_start3A_353 : memref<768xf32, #tpu.memory_space<hbm>>) target_semaphore(%run_scoped3A : memref<!tpu.dma_semaphore, #tpu.memory_space<semaphore_mem>>)
            %dma_wait3A = arith.constant 0 : i32
            %dma_wait3A_354 = tpu.memref_slice %arg4[%select_n3A_345, %sub3A_348, %dma_wait3A] : memref<1024x77x768xf32, #tpu.memory_space<hbm>> -> memref<1x1x768xf32, #tpu.memory_space<hbm>>
            %dma_wait3A_355 = tpu.memref_squeeze %dma_wait3A_354 : memref<1x1x768xf32, #tpu.memory_space<hbm>> -> memref<768xf32, #tpu.memory_space<hbm>>
            %dma_wait3A_356 = arith.constant 0 : i32
            %dma_wait3A_357 = tpu.memref_slice %arg4[%select_n3A_345, %sub3A_348, %dma_wait3A_356] : memref<1024x77x768xf32, #tpu.memory_space<hbm>> -> memref<1x1x768xf32, #tpu.memory_space<hbm>>
            %dma_wait3A_358 = tpu.memref_squeeze %dma_wait3A_357 : memref<1x1x768xf32, #tpu.memory_space<hbm>> -> memref<768xf32, #tpu.memory_space<hbm>>
            tpu.wait_dma2 semaphore(%run_scoped3A : memref<!tpu.dma_semaphore, #tpu.memory_space<semaphore_mem>>) src(%arg7 : memref<768xf32, #tpu.memory_space<vmem>>) dst(%dma_wait3A_358 : memref<768xf32, #tpu.memory_space<hbm>>)
            tpu.yield
          }) : () -> ()
        } else {
        }
      } else {
      }
    }
    %scan3A_6 = arith.constant 154 : i32
    return
  }
}

</mosaic_0001>

<sc_bundles>
// kernel: kernel.3.cloned.1.call-start
scs
__scs_entry_jumppad:
0x0: {  	(pc) =	sbr.rel $0x88, $3  }
0x1: {  	(tag) =	ssettag $0x0;
	lr =	simm.s32 $0x1  }
0x2: {  	[smem:$0x3F9E] =	sst lr;
	_ =	strace $0xD0000000  }
0x3: {  	_ = 	snop  }
0x4: {  	_ = 	snop  }
0x5: {  	_ = 	snop  }
0x6: {  	_ = 	snop  }
0x7: {  	_ = 	snop  }
__scs_overlays_trampoline_lowered:
0x8: {  	[smem:$0x3FAD] =	sst s0  }
0x9: {  	[smem:$0x3FAE] =	sst s1  }
0xa: {  	[smem:$0x3FAF] =	sst s2  }
0xb: {  	[smem:$0x3FB0] =	sst s3  }
0xc: {  	[smem:$0x3FB1] =	sst s4  }
0xd: {  	[smem:$0x3FB2] =	sst s5  }
0xe: {  	[smem:$0x3FB3] =	sst s6  }
0xf: {  	[smem:$0x3FB4] =	sst s7  }
0x10: {  	[smem:$0x3FB5] =	sst s8  }
0x11: {  	[smem:$0x3FB6] =	sst s9;
	s0 =	simm.s32 @!p0 $0x0  }
0x12: {  	s1 =	sld [smem:$0x3F9C];
	s0 =	simm.s32 @p0 $0x1  }
0x13: {  	[smem:$0x3FB7] =	sst s0;
	s0 =	simm.s32 @!p1 $0x0  }
0x14: {  	s2 =	sld [smem:$0x3F9B];
	s0 =	simm.s32 @p1 $0x1  }
0x15: {  	[smem:$0x3FB8] =	sst s0;
	s0 =	simm.s32 @!p2 $0x0  }
0x16: {  	s3 =	sld [smem:$0x3FDB];
	s0 =	simm.s32 @p2 $0x1  }
0x17: {  	s4 =	simm.s32 $0x1BF5;
	[smem:$0x3FBA] =	sst s0  }
0x18: {  	s0 =	sld [smem:$0x3F9D];
	_ =	swait.ge [sflag:s4], $0x0  }
0x19: {  	s7 =	sld [smem:$0x3F9E]  }
0x1a: {  	s8 =	sadd.s32 $0xFFFFE003, lr  }
0x1b: {  	s9 =	sadd.s32 $0xFFFFFEF7, lr;
	s5 =	simm.s32 $0xFFFFFFFF;
	p2 =	slt.u32 s8, $0xFFFFF086  }
0x1c: {  	p1 =	slt.u32 s9, $0xF7A;
	s5 =	simm.s32 @!p2 $0x0  }
0x1d: {  	s5 =	simm.s32 @p1 $0x1;
	p0 =	seq.s32 s7, s2  }
0x1e: {  	s7 =	smul.u32 @!p0 $0xF7A, s2;
	p2 =	seq.s32 @!p0 s5, $0x0  }
0x1f: {  	s9 =	smul.u32 $0xF7A, s1;
	s8 =	simm.s32 @!p0 $0x1BF5;
	p2 =	por !p2, p0  }
0x20: {  	[sflag:s8] =	ssyncset.s32 @!p0 $0xFFFFF086;
	s6 =	sadd.s32 @!p0 s3, s7;
	s7 =	simm.s32 @!p0 $0x108  }
0x21: {  	s3 =	sadd.s32 s3, s9;
	s6 =	sadd.s32 @!p0 $0x88, s6;
	s7 =	simm.s32 @p2 $0x1082  }
0x22: {  	[simem:s7], [sflag:s8] =	dma.local @!p0 [hbm:s6], $0xF7A  }
0x23: {  	s9 =	sor.u32 $0xD0000000, s2;
	s6 =	simm.s32 $0x108;
	_ =	swait.ge @!p0 [sflag:s8], $0x0  }
0x24: {  	s3 =	sadd.s32 $0x88, s3;
	s6 =	simm.s32 @!p1 $0x1082;
	[sflag:s4] =	ssyncset.s32 $0xFFFFF086  }
0x25: {  	[simem:s6], [sflag:s4] =	dma.local [hbm:s3], $0xF7A  }
0x26: {  	[smem:$0x3F9E] =	sst s1;
	(tag) =	ssettag s2;
	_ =	strace s9  }
0x27: {  	s1 =	sld [smem:$0x3FAE]  }
0x28: {  	s2 =	sld [smem:$0x3FAF]  }
0x29: {  	s4 =	sld [smem:$0x3FB1]  }
0x2a: {  	p0 =	seq.s32 s5, $0x0;
	s5 =	sld [smem:$0x3FB2]  }
0x2b: {  	s6 =	sld [smem:$0x3FB3]  }
0x2c: {  	s7 =	sld [smem:$0x3FB4]  }
0x2d: {  	s3 =	simm.s32 $0x108;
	s8 =	sld [smem:$0x3FB5]  }
0x2e: {  	s3 =	simm.s32 @!p0 $0x1082;
	s9 =	sld [smem:$0x3FB6]  }
0x2f: {  	lr =	sadd.s32 s0, s3;
	s0 =	sld [smem:$0x3FAD]  }
0x30: {  	s3 =	sld [smem:$0x3FB0]  }
0x31: {  	[smem:$0x3FB9] =	sst s10  }
0x32: {  	s10 =	sld [smem:$0x3FB7];
	_ =	sdelay $0x3  }
0x33: {  	p0 =	seq.s32 s10, $0x1;
	s10 =	sld [smem:$0x3FB9];
	_ =	sdelay $0x3  }
0x34: {  	[smem:$0x3FB9] =	sst s10  }
0x35: {  	s10 =	sld [smem:$0x3FB8];
	_ =	sdelay $0x3  }
0x36: {  	p1 =	seq.s32 s10, $0x1;
	s10 =	sld [smem:$0x3FB9];
	_ =	sdelay $0x3  }
0x37: {  	[smem:$0x3FB9] =	sst s10  }
0x38: {  	s10 =	sld [smem:$0x3FBA]  }
0x39: {  	_ = 	snop;
	(pc) =	sbr.ind lr, $3  }
0x3a: {  	_ = 	snop  }
0x3b: {  	_ = 	snop  }
0x3c: {  	p2 =	seq.s32 s10, $0x1;
	s10 =	sld [smem:$0x3FB9]  }
0x3d: {  	_ =	shalt  }
0x3e: {  	_ =	shalt  }
0x3f: {  	_ =	shalt  }
0x40: {  	_ =	shalt  }
0x41: {  	_ =	shalt  }
0x42: {  	_ =	shalt  }
0x43: {  	_ =	shalt  }
0x44: {  	_ =	shalt  }
0x45: {  	_ =	shalt  }
0x46: {  	_ =	shalt  }
0x47: {  	_ =	shalt  }
0x48: {  	_ =	shalt  }
0x49: {  	_ =	shalt  }
0x4a: {  	_ =	shalt  }
0x4b: {  	_ =	shalt  }
0x4c: {  	_ =	shalt  }
0x4d: {  	_ =	shalt  }
0x4e: {  	_ =	shalt  }
0x4f: {  	_ =	shalt  }
0x50: {  	_ =	shalt  }
0x51: {  	_ =	shalt  }
0x52: {  	_ =	shalt  }
0x53: {  	_ =	shalt  }
0x54: {  	_ =	shalt  }
0x55: {  	_ =	shalt  }
0x56: {  	_ =	shalt  }
0x57: {  	_ =	shalt  }
0x58: {  	_ =	shalt  }
0x59: {  	_ =	shalt  }
0x5a: {  	_ =	shalt  }
0x5b: {  	_ =	shalt  }
0x5c: {  	_ =	shalt  }
0x5d: {  	_ =	shalt  }
0x5e: {  	_ =	shalt  }
0x5f: {  	_ =	shalt  }
0x60: {  	_ =	shalt  }
0x61: {  	_ =	shalt  }
0x62: {  	_ =	shalt  }
0x63: {  	_ =	shalt  }
0x64: {  	_ =	shalt  }
0x65: {  	_ =	shalt  }
0x66: {  	_ =	shalt  }
0x67: {  	_ =	shalt  }
0x68: {  	_ =	shalt  }
0x69: {  	_ =	shalt  }
0x6a: {  	_ =	shalt  }
0x6b: {  	_ =	shalt  }
0x6c: {  	_ =	shalt  }
0x6d: {  	_ =	shalt  }
0x6e: {  	_ =	shalt  }
0x6f: {  	_ =	shalt  }
0x70: {  	_ =	shalt  }
0x71: {  	_ =	shalt  }
0x72: {  	_ =	shalt  }
0x73: {  	_ =	shalt  }
0x74: {  	_ =	shalt  }
0x75: {  	_ =	shalt  }
0x76: {  	_ =	shalt  }
0x77: {  	_ =	shalt  }
0x78: {  	_ =	shalt  }
0x79: {  	_ =	shalt  }
0x7a: {  	_ =	shalt  }
0x7b: {  	_ =	shalt  }
0x7c: {  	_ =	shalt  }
0x7d: {  	_ =	shalt  }
0x7e: {  	_ =	shalt  }
0x7f: {  	_ =	shalt  }
0x80: {  	_ =	shalt  }
0x81: {  	_ =	shalt  }
0x82: {  	_ =	shalt  }
0x83: {  	_ =	shalt  }
0x84: {  	_ =	shalt  }
0x85: {  	_ =	shalt  }
0x86: {  	_ =	shalt  }
0x87: {  	_ =	shalt  }
.Lfunc_end0:
.L_simem_size_0:
called_computation_lowered:
.L_overlay_start_0:
0x88: {  	s2 =	sld [smem:$0x3FD9]  }
0x89: {  	s3 =	sld [smem:$0x3FFE];
	_ =	sdelay $0x1  }
0x8a: {  	s1 =	srdreg.scid  }
0x8b: {  	s0 =	sand.u32 $0x1, s1  }
0x8c: {  	s17 =	sshll.u32 s0, $0xA;
	s2 =	sadd.s32 s3, s2  }
0x8d: {  	s2 =	sadd.s32 s2, s17  }
0x8e: {  	[smem:$0x3FC5] =	sst s2  }
0x8f: {  	_ = 	snop  }
0x90: {  	s2 =	sld [smem:$0x3FC7]  }
0x91: {  	s18 =	sld [smem:$0x3FD0];
	(tm) =	ssettm $0x1  }
0x92: {  	s4 =	sld [smem:$0x3FFB];
	_ =	sdelay $0x3  }
0x93: {  	_ =	strace s4  }
0x94: {  	s4 =	sld [smem:$0x3FFC];
	_ =	sdelay $0x3  }
0x95: {  	_ =	strace s4  }
0x96: {  	s4 =	sld [smem:$0x3FFD];
	_ =	sdelay $0x3  }
0x97: {  	_ =	strace s4  }
0x98: {  	_ =	strace $0x8FFFFFFF  }
0x99: {  	s19 =	sld [smem:$0x3FDB];
	_ =	sdelay $0x1  }
0x9a: {  	s5 =	simm.s32 $_scs_section_size  }
0x9b: {  	s6 =	simm.s32 $_size__tile_overlayer_lowered;
	s7 =	simm.s32 $_tile_overlayer_lowered  }
0x9c: {  	s22 =	simm.s32 $0x1BFF;
	s21 =	sshll.u32 s7, $0x1;
	s4 =	sadd.s32 s5, s19  }
0x9d: {  	s8 =	simm.s32 $0x0;
	s20 =	sshll.u32 s6, $0x1;
	s6 =	sadd.s32 s21, s4  }
0x9e: {  	[timem:s8], [sflag:s22] =	dma.local [hbm:s6], s20  }
0x9f: {  	_ =	swait.ge [sflag:s22], s20  }
0xa0: {  	s5 =	ssub.s32 $0x0, s20;
	[sflag:s22] =	ssyncset.done $0x0  }
0xa1: {  	[sflag:s22] =	ssyncadd.s32 s5;
	_ =	sdelay $0x1  }
0xa2: {  	s23 =	simm.s32 $0x1B8B  }
0xa3: {  	_ =	swait.ge [sflag:s23], $0x1  }
0xa4: {  	[sflag:s23] =	ssyncset.done $0x0  }
0xa5: {  	s25 =	simm.s32 $0x1B8E;
	s24 =	sld [smem:$0x3FFE];
	[sflag:s23] =	ssyncadd.s32 $0xFFFFFFFF  }
0xa6: {  	s26 =	simm.s32 $execute0_lowered;
	[smem:$0x3FD2] =	sst s25  }
0xa7: {  	s6 =	sshll.u32 s26, $0x1;
	_ =	strace $0x80000046;
	[dreg:$0x1] =	wrdreg $0xFFFFFFFF  }
0xa8: {  	s28 =	simm.s32 $_size_execute0_lowered;
	s4 =	sadd.s32 s4, s6;
	[dreg:$0x0] =	wrdreg $0x0  }
0xa9: {  	s6 =	sshll.u32 s28, $0x1;
	[dreg:$0x2] =	wrdreg s4  }
0xaa: {  	[dreg:$0x3] =	wrdreg s6  }
0xab: {  	[dreg:$0x4] =	wrdreg $0xC0  }
0xac: {  	_ =	task [dreg:s8], $0x5FFFF  }
0xad: {  	[dreg:$0x1] =	wrdreg $0xFFFFFFFF  }
0xae: {  	[dreg:$0x0] =	wrdreg $0x60  }
0xaf: {  	[dreg:$0x2] =	wrdreg s18  }
0xb0: {  	[dreg:$0x3] =	wrdreg s2  }
0xb1: {  	[dreg:$0x4] =	wrdreg s24  }
0xb2: {  	[dreg:$0x5] =	wrdreg $0x9  }
0xb3: {  	_ =	task.clear_ibuf [dreg:s8], $0x6FFFF;
	_ =	strace $0x90000046  }
0xb4: {  	s29 =	simm.s32 $0x9;
	_ =	strace $0x80000048  }
0xb5: {  	_ =	swait.ge [sflag:s29], $0x1  }
0xb6: {  	[sflag:s29] =	ssyncadd.s32 $0xFFFFFFFF  }
0xb7: {  	_ =	strace $0x90000048  }
0xb8: {  	_ =	sfence  }
0xb9: {  	s30 =	sld [smem:$0x0];
	_ =	sdelay $0x2  }
0xba: {  	s31 =	sshll.u32 s1, $0xD;
	s1 =	sshrl.u32 s1, $0x2  }
0xbb: {  	s3 =	sand.u32 $0x4000, s31;
	s1 =	sadd.s32 s1, s30  }
0xbc: {  	s0 =	sor.u32 s3, s0;
	s1 =	sshll.u32 s1, $0x11  }
0xbd: {  	s0 =	sor.u32 s1, s0  }
0xbe: {  	s0 =	sadd.s32 $0x8F2B, s0  }
0xbf: {  	[sflag:s0] =	ssyncadd.remote.s32 $0x1  }
0xc0: {  	_ =	sfence.sel $0xFFFF  }
0xc1: {  	[dreg:$0x0] =	wrdreg $0xFFFFFFFF;
	(pc) =	sbr.abs _section_cstart, $3  }
0xc2: {  	[dreg:$0x1] =	wrdreg $0xFFFFFFFF  }
0xc3: {  	_ =	task.clear_ibuf [dreg:s8], $0x2FFFF;
	_ =	strace $0x9FFFFFFF  }
0xc4: {  	(tm) =	ssettm $0x7FFFFFFF  }
0xc5: {  	_ =	shalt  }
tec
execute0_lowered:
.L_overlay_start_1:
0x0: {  	(tag) =	ssettag $0x1  }
0x1: {  	s0 =	rddreg [dreg:$0x0];
	s1 =	srdreg.scid  }
0x2: {  	s5 =	stileid.u32;
	s4 =	simm.s32 $0x0;
	s1 =	sand.u32 $0x1, s1  }
0x3: {  	[smem:$0x7FF] =	sst s4;
	s4 =	smul.u32 $0x1340, s5;
	s13 =	ssub.s32 $0x2, s1  }
0x4: {  	s2 =	sshll.u32 s5, $0x1;
	s6 =	smul.u32 $0x9A0, s1;
	s9 =	sshrl.u32 s13, $0x1  }
0x5: {  	s3 =	rddreg [dreg:$0x2];
	s2 =	sor.u32 s1, s2;
	s14 =	ssub.s32 s13, s9  }
0x6: {  	s8 =	smul.u32 $0x4D000, s1;
	s9 =	sadd.s32 s6, s4;
	s1 =	smax.u32 s14, $0x1  }
0x7: {  	_ =	strace $0x80000047;
	s16 =	sor.u32 $0xF, s9;
	[dreg:$0x5] =	wrdreg s1  }
0x8: {  	s17 =	sor.u32 $0xE, s9;
	[dreg:$0x7] =	wrdreg s16  }
0x9: {  	s18 =	sor.u32 $0xD, s9;
	[dreg:$0x8] =	wrdreg s17  }
0xa: {  	s19 =	sor.u32 $0xC, s9;
	[dreg:$0x9] =	wrdreg s18  }
0xb: {  	s20 =	sor.u32 $0xB, s9;
	[dreg:$0xa] =	wrdreg s19  }
0xc: {  	s21 =	sor.u32 $0xA, s9;
	[dreg:$0xb] =	wrdreg s20  }
0xd: {  	s22 =	sor.u32 $0x9, s9;
	[dreg:$0xc] =	wrdreg s21  }
0xe: {  	s23 =	sor.u32 $0x8, s9;
	[dreg:$0xd] =	wrdreg s22  }
0xf: {  	s24 =	sor.u32 $0x7, s9;
	[dreg:$0xe] =	wrdreg s23  }
0x10: {  	s29 =	simm.s32 $0x0;
	s25 =	sor.u32 $0x6, s9;
	[dreg:$0xf] =	wrdreg s24  }
0x11: {  	s7 =	smul.u32 $0x9A000, s5;
	s26 =	sor.u32 $0x5, s9;
	[dreg:$0x10] =	wrdreg s25  }
0x12: {  	s2 =	smul.u32 $0x9A0, s2;
	s28 =	sor.u32 $0x4, s9;
	[dreg:$0x11] =	wrdreg s26  }
.Ltmp0:
0x13: {  	vm0 =	vmmov $0x1;
	vm2 =	vcmask $0x70C;
	vm3 =	vcmask $0xB10;
	s30 =	sor.u32 $0x3, s9;
	[dreg:$0x12] =	wrdreg s28;
	(pc) =	sbr.rel .LBB2_1-.Ltmp0, $4  }
0x14: {  	vm4 =	vcmask $0xF14;
	vm5 =	vcmask $0x1318;
	vm6 =	vcmask $0x171C;
	s2 =	sshrl.u32 s2, $0x3;
	s31 =	sor.u32 $0x2, s9;
	[dreg:$0x13] =	wrdreg s30  }
0x15: {  	vm7 =	vcmask $0x1B20;
	vm8 =	vcmask $0x1F24;
	vm9 =	vcmask $0x2328;
	s15 =	sadd.s32 s8, s7;
	s0 =	sadd.s32 s0, s2;
	[dreg:$0x14] =	wrdreg s31  }
0x16: {  	vm10 =	vcmask $0x272C;
	vm11 =	vcmask $0x2B30;
	vm12 =	vcmask $0x2F34;
	s5 =	sadd.s32 $0x400, s3;
	[dreg:$0x4] =	wrdreg s0;
	s0 =	sor.u32 $0x780, s15  }
0x17: {  	vm13 =	vcmask $0x3338;
	vm14 =	vcmask $0x373C;
	vm15 =	vmmov $0x7fff;
	s1 =	sor.u32 $0x1, s9;
	s26 =	simm.s32 $0x1;
	[dreg:$0x6] =	wrdreg s0  }
.LBB2_5:
0x18: {  	s29 =	sadd.s32 $0x1, s29;
	s0 =	rddreg [dreg:$0x5]  }
0x19: {  	p0 =	sne.s32 s29, s0  }
.Ltmp1:
0x1a: {  	_ = 	snop;
	(pc) =	sbr.rel @!p0 .LBB2_6-.Ltmp1, $1  }
0x1b: {  	_ =	sdelay $0x3  }
.LBB2_1:
0x1c: {  	s2 =	simm.s32 $0x0;
	s0 =	rddreg [dreg:$0x4]  }
0x1d: {  	[tilespmem:s2], [sflag:$0x1] =	stream.linear.gather [hbm4b:s0+s2], $0x9A0, $0x38;
	[tilespmem:$0xD00] =	vst v63  }
0x1e: {  	_ =	swait.ge [sflag:s26], $0x9A0  }
0x1f: {  	[sflag:s26] =	ssyncset.done $0x0  }
0x20: {  	[sflag:s26] =	ssyncadd.s32 $0xFFFFF660  }
0x21: {  	s3 =	simm.s32 $0xA00;
	s28 =	rddreg [dreg:$0x1]  }
0x22: {  	[tilespmem:s3], [sflag:$0x1] =	stream.linear.gather [hbm4b:s28+s2], $0x300, $0x38;
	[tilespmem:$0xD00] =	vst v63  }
0x23: {  	_ =	swait.ge [sflag:s26], $0x300  }
0x24: {  	s24 =	rddreg [dreg:$0x14]  }
0x25: {  	s23 =	rddreg [dreg:$0x13]  }
0x26: {  	s22 =	rddreg [dreg:$0x12]  }
0x27: {  	s21 =	rddreg [dreg:$0x11]  }
0x28: {  	s20 =	rddreg [dreg:$0x10]  }
0x29: {  	s19 =	rddreg [dreg:$0xf]  }
0x2a: {  	s18 =	rddreg [dreg:$0xe]  }
0x2b: {  	s17 =	rddreg [dreg:$0xd]  }
0x2c: {  	s16 =	rddreg [dreg:$0xc]  }
0x2d: {  	s15 =	rddreg [dreg:$0xb]  }
.Ltmp2:
0x2e: {  	s14 =	rddreg [dreg:$0xa];
	(pc) =	sbr.rel .LBB2_2-.Ltmp2, $4  }
0x2f: {  	s13 =	rddreg [dreg:$0x9]  }
0x30: {  	s30 =	smov.u32 s9;
	s31 =	simm.s32 $0x0;
	s12 =	rddreg [dreg:$0x8]  }
0x31: {  	s25 =	smov.u32 s1;
	[sflag:s26] =	ssyncset.done $0x0;
	s11 =	rddreg [dreg:$0x7]  }
0x32: {  	s8 =	simm.s32 $0x0;
	s10 =	rddreg [dreg:$0x6];
	[sflag:s26] =	ssyncadd.s32 $0xFFFFFD00  }
.LBB2_4:
0x33: {  	s8 =	sadd.s32 $0x10, s8;
	s10 =	sadd.s32 $0x800, s10;
	s11 =	sadd.s32 $0x10, s11  }
0x34: {  	s12 =	sadd.s32 $0x10, s12;
	s13 =	sadd.s32 $0x10, s13;
	p0 =	sne.s32 s8, $0x9A0  }
.Ltmp3:
0x35: {  	s14 =	sadd.s32 $0x10, s14;
	s15 =	sadd.s32 $0x10, s15;
	(pc) =	sbr.rel @!p0 .LBB2_5-.Ltmp3, $4  }
0x36: {  	s16 =	sadd.s32 $0x10, s16;
	s17 =	sadd.s32 $0x10, s17;
	s18 =	sadd.s32 $0x10, s18  }
0x37: {  	s19 =	sadd.s32 $0x10, s19;
	s20 =	sadd.s32 $0x10, s20;
	s21 =	sadd.s32 $0x10, s21  }
0x38: {  	s22 =	sadd.s32 $0x10, s22;
	s23 =	sadd.s32 $0x10, s23;
	s24 =	sadd.s32 $0x10, s24  }
0x39: {  	s25 =	sadd.s32 $0x10, s25;
	s31 =	sadd.s32 $0x10, s31;
	s30 =	sadd.s32 $0x10, s30  }
.LBB2_2:
0x3a: {  	v0 =	vld [tilespmem:s31+$0x0];
	_ =	sdelay $0x4  }
0x3b: {  	vm1 =	veq.s32 v0, $0x3039  }
0x3c: {  	v1 =	vmpcnt.ones.xlane vm1;
	_ =	sdelay $0x1  }
0x3d: {  	v1 =	vxor.u32 $0x80000000, v1  }
0x3e: {  	(xrf0) =	vmax.scan.msk.u32 $0xffff, v1;
	_ =	sdelay $0x5  }
0x3f: {  	v1, _, _ =	vpop (xrf0)  }
0x40: {  	(v2sf) =	vpush v1, $0xF;
	_ =	sdelay $0xe  }
0x41: {  	s7 =	spop (v2sf)  }
0x42: {  	p0 =	slt.u32 s7, $0x80000001  }
.Ltmp4:
0x43: {  	_ = 	snop;
	(pc) =	sbr.rel @p0 .LBB2_4-.Ltmp4, $1  }
0x44: {  	_ =	sdelay $0x3  }
0x45: {  	v1 =	vnsel vm0, $0x0, v0  }
0x46: {  	v1 =	vxor.u32 $0x80000000, v1  }
0x47: {  	(xrf0) =	vmax.scan.msk.u32 $0xffff, v1;
	_ =	sdelay $0x5  }
0x48: {  	v1, _, _ =	vpop (xrf0)  }
0x49: {  	(v2sf) =	vpush v1, $0xF;
	_ =	sdelay $0xb  }
0x4a: {  	s7 =	smulhi.u32 $0x3531DEC1, s30;
	_ =	sdelay $0x1  }
0x4b: {  	s7 =	sshrl.u32 s7, $0x4  }
0x4c: {  	s2 =	smul.u32 $0x4D, s7;
	s3 =	spop (v2sf)  }
0x4d: {  	p1 =	sne.s32 s3, $0x80003039  }
0x4e: {  	s3 =	ssub.s32 s4, s2;
	s7 =	sadd.s32 @!p1 s8, s9;
	s28 =	sadd.s32 @!p1 s8, s6  }
0x4f: {  	s7 =	smulhi.u32 @!p1 $0x3531DEC1, s7;
	s3 =	sadd.s32 @!p1 s3, s28  }
0x50: {  	s3 =	sshrl.u32 @!p1 s3, $0x3  }
0x51: {  	s7 =	sshrl.u32 @!p1 s7, $0x4;
	s3 =	smul.u32 @!p1 $0x1800, s3  }
0x52: {  	s28 =	smul.u32 @!p1 $0xF000, s7  }
0x53: {  	s7 =	smul.u32 @!p1 $0x180, s7;
	_ =	sdelay $0x1  }
0x54: {  	s3 =	sadd.s32 @!p1 s28, s3;
	s7 =	sand.u32 @!p1 $0x380, s7  }
0x55: {  	s3 =	sor.u32 @!p1 s7, s3  }
0x56: {  	s2 =	simm.s32 @!p1 $0xA00;
	s3 =	sshrl.u32 @!p1 s3, $0x3  }
0x57: {  	s28 =	simm.s32 @!p1 $0x400;
	s7 =	simm.s32 @!p1 $0x80;
	s3 =	sadd.s32 @!p1 s5, s3  }
0x58: {  	vm1 =	vcmask $0x308;
	[hbm4b:s3+s7] =	stream.strided.scatter @!p1 [tilespmem:s2], [sflag:$0x2], $0x300, s28, s7, $0x38;
	[tilespmem:$0xD00] =	vst v63  }
0x59: {  	v49 =	vsel vm1, $0x0, v0;
	s2 =	simm.s32 @!p1 $0x2  }
0x5a: {  	v1 =	vxor.u32 $0x80000000, v49;
	_ =	swait.ge @!p1 [sflag:s2], $0x300  }
0x5b: {  	(xrf0) =	vmax.scan.msk.u32 $0xffff, v1;
	_ =	sdelay $0x5  }
0x5c: {  	v1, _, _ =	vpop (xrf0)  }
0x5d: {  	(v2sf) =	vpush v1, $0xF;
	_ =	sdelay $0xc  }
0x5e: {  	s28 =	smulhi.u32 $0x3531DEC1, s25;
	_ =	sdelay $0x1  }
0x5f: {  	s3 =	sshrl.u32 s28, $0x4;
	s0 =	spop (v2sf)  }
0x60: {  	s28 =	smul.u32 $0x4D, s3;
	p0 =	sne.s32 s0, $0x80003039  }
0x61: {  	s7 =	sadd.s32 @!p0 s8, s9  }
0x62: {  	s28 =	ssub.s32 $0x1, s28;
	s0 =	sadd.s32 @!p0 $0x1, s7  }
0x63: {  	s7 =	sadd.s32 @!p0 s28, s7;
	s0 =	smulhi.u32 @!p0 $0x3531DEC1, s0  }
0x64: {  	s3 =	smul.u32 $0xFFFFD980, s3;
	s7 =	sshrl.u32 @!p0 s7, $0x3  }
0x65: {  	s7 =	smul.u32 @!p0 $0x1800, s7;
	s0 =	sshrl.u32 @!p0 s0, $0x4  }
0x66: {  	s3 =	sadd.s32 @!p0 s3, s10;
	s0 =	smul.u32 @!p0 $0xF000, s0  }
0x67: {  	s3 =	sadd.s32 @!p0 $0xFFFFF900, s3  }
0x68: {  	s3 =	sand.u32 @!p0 $0x380, s3;
	s0 =	sadd.s32 @!p0 s0, s7  }
0x69: {  	[sflag:s2] =	ssyncset.done @!p1 $0x0;
	s0 =	sor.u32 @!p0 s3, s0  }
0x6a: {  	[sflag:s2] =	ssyncadd.s32 @!p1 $0xFFFFFD00;
	s2 =	simm.s32 @!p0 $0x80;
	s0 =	sshrl.u32 @!p0 s0, $0x3  }
0x6b: {  	s7 =	simm.s32 @!p0 $0xA00;
	s3 =	simm.s32 @!p0 $0x400;
	s0 =	sadd.s32 @!p0 s5, s0  }
0x6c: {  	[hbm4b:s0+s2] =	stream.strided.scatter @!p0 [tilespmem:s7], [sflag:$0x2], $0x300, s3, s2, $0x38;
	[tilespmem:$0xD00] =	vst v63  }
0x6d: {  	v50 =	vsel vm2, $0x0, v0;
	s0 =	simm.s32 @!p0 $0x2  }
0x6e: {  	v1 =	vxor.u32 $0x80000000, v50;
	_ =	swait.ge @!p0 [sflag:s0], $0x300  }
0x6f: {  	(xrf0) =	vmax.scan.msk.u32 $0xffff, v1;
	_ =	sdelay $0x5  }
0x70: {  	v1, _, _ =	vpop (xrf0)  }
0x71: {  	(v2sf) =	vpush v1, $0xF;
	_ =	sdelay $0xc  }
0x72: {  	s7 =	smulhi.u32 $0x3531DEC1, s24;
	_ =	sdelay $0x1  }
0x73: {  	s2 =	sshrl.u32 s7, $0x4;
	s28 =	spop (v2sf)  }
0x74: {  	s7 =	smul.u32 $0x4D, s2;
	p1 =	sne.s32 s28, $0x80003039  }
0x75: {  	s3 =	sadd.s32 @!p1 s8, s9  }
0x76: {  	s7 =	ssub.s32 $0x2, s7;
	s28 =	sadd.s32 @!p1 $0x2, s3  }
0x77: {  	s3 =	sadd.s32 @!p1 s7, s3;
	s28 =	smulhi.u32 @!p1 $0x3531DEC1, s28  }
0x78: {  	s2 =	smul.u32 $0xFFFFD980, s2;
	s3 =	sshrl.u32 @!p1 s3, $0x3  }
0x79: {  	s3 =	smul.u32 @!p1 $0x1800, s3;
	s28 =	sshrl.u32 @!p1 s28, $0x4  }
0x7a: {  	s2 =	sadd.s32 @!p1 s2, s10;
	s7 =	smul.u32 @!p1 $0xF000, s28  }
0x7b: {  	s2 =	sadd.s32 @!p1 $0xFFFFF980, s2  }
0x7c: {  	s2 =	sand.u32 @!p1 $0x380, s2;
	s3 =	sadd.s32 @!p1 s7, s3  }
0x7d: {  	[sflag:s0] =	ssyncset.done @!p0 $0x0;
	s2 =	sor.u32 @!p1 s2, s3  }
0x7e: {  	[sflag:s0] =	ssyncadd.s32 @!p0 $0xFFFFFD00;
	s7 =	simm.s32 @!p1 $0xA00;
	s2 =	sshrl.u32 @!p1 s2, $0x3  }
0x7f: {  	s3 =	simm.s32 @!p1 $0x400;
	s0 =	sadd.s32 @!p1 s5, s2;
	s2 =	simm.s32 @!p1 $0x80  }
0x80: {  	[hbm4b:s0+s2] =	stream.strided.scatter @!p1 [tilespmem:s7], [sflag:$0x2], $0x300, s3, s2, $0x38;
	[tilespmem:$0xD00] =	vst v63  }
0x81: {  	v51 =	vsel vm3, $0x0, v0;
	s0 =	simm.s32 @!p1 $0x2  }
0x82: {  	v1 =	vxor.u32 $0x80000000, v51;
	_ =	swait.ge @!p1 [sflag:s0], $0x300  }
0x83: {  	(xrf0) =	vmax.scan.msk.u32 $0xffff, v1;
	_ =	sdelay $0x5  }
0x84: {  	v1, _, _ =	vpop (xrf0)  }
0x85: {  	(v2sf) =	vpush v1, $0xF;
	_ =	sdelay $0xc  }
0x86: {  	s7 =	smulhi.u32 $0x3531DEC1, s23;
	_ =	sdelay $0x1  }
0x87: {  	s2 =	sshrl.u32 s7, $0x4;
	s28 =	spop (v2sf)  }
0x88: {  	s7 =	smul.u32 $0x4D, s2;
	p0 =	sne.s32 s28, $0x80003039  }
0x89: {  	s3 =	sadd.s32 @!p0 s8, s9  }
0x8a: {  	s7 =	ssub.s32 $0x3, s7;
	s28 =	sadd.s32 @!p0 $0x3, s3  }
0x8b: {  	s3 =	sadd.s32 @!p0 s7, s3;
	s28 =	smulhi.u32 @!p0 $0x3531DEC1, s28  }
0x8c: {  	s2 =	smul.u32 $0xFFFFD980, s2;
	s3 =	sshrl.u32 @!p0 s3, $0x3  }
0x8d: {  	s3 =	smul.u32 @!p0 $0x1800, s3;
	s28 =	sshrl.u32 @!p0 s28, $0x4  }
0x8e: {  	s2 =	sadd.s32 @!p0 s2, s10;
	s7 =	smul.u32 @!p0 $0xF000, s28  }
0x8f: {  	s2 =	sadd.s32 @!p0 $0xFFFFFA00, s2  }
0x90: {  	s2 =	sand.u32 @!p0 $0x380, s2;
	s3 =	sadd.s32 @!p0 s7, s3  }
0x91: {  	[sflag:s0] =	ssyncset.done @!p1 $0x0;
	s2 =	sor.u32 @!p0 s2, s3  }
0x92: {  	[sflag:s0] =	ssyncadd.s32 @!p1 $0xFFFFFD00;
	s7 =	simm.s32 @!p0 $0xA00;
	s2 =	sshrl.u32 @!p0 s2, $0x3  }
0x93: {  	s3 =	simm.s32 @!p0 $0x400;
	s0 =	sadd.s32 @!p0 s5, s2;
	s2 =	simm.s32 @!p0 $0x80  }
0x94: {  	[hbm4b:s0+s2] =	stream.strided.scatter @!p0 [tilespmem:s7], [sflag:$0x2], $0x300, s3, s2, $0x38;
	[tilespmem:$0xD00] =	vst v63  }
0x95: {  	v52 =	vsel vm4, $0x0, v0;
	s0 =	simm.s32 @!p0 $0x2  }
0x96: {  	v1 =	vxor.u32 $0x80000000, v52;
	_ =	swait.ge @!p0 [sflag:s0], $0x300  }
0x97: {  	(xrf0) =	vmax.scan.msk.u32 $0xffff, v1;
	_ =	sdelay $0x5  }
0x98: {  	v1, _, _ =	vpop (xrf0)  }
0x99: {  	(v2sf) =	vpush v1, $0xF;
	_ =	sdelay $0xc  }
0x9a: {  	s7 =	smulhi.u32 $0x3531DEC1, s22;
	_ =	sdelay $0x1  }
0x9b: {  	s2 =	sshrl.u32 s7, $0x4;
	s28 =	spop (v2sf)  }
0x9c: {  	s7 =	smul.u32 $0x4D, s2;
	p1 =	sne.s32 s28, $0x80003039  }
0x9d: {  	s3 =	sadd.s32 @!p1 s8, s9  }
0x9e: {  	s7 =	ssub.s32 $0x4, s7;
	s28 =	sadd.s32 @!p1 $0x4, s3  }
0x9f: {  	s3 =	sadd.s32 @!p1 s7, s3;
	s28 =	smulhi.u32 @!p1 $0x3531DEC1, s28  }
0xa0: {  	s2 =	smul.u32 $0xFFFFD980, s2;
	s3 =	sshrl.u32 @!p1 s3, $0x3  }
0xa1: {  	s3 =	smul.u32 @!p1 $0x1800, s3;
	s28 =	sshrl.u32 @!p1 s28, $0x4  }
0xa2: {  	s2 =	sadd.s32 @!p1 s2, s10;
	s7 =	smul.u32 @!p1 $0xF000, s28  }
0xa3: {  	s2 =	sadd.s32 @!p1 $0xFFFFFA80, s2  }
0xa4: {  	s2 =	sand.u32 @!p1 $0x380, s2;
	s3 =	sadd.s32 @!p1 s7, s3  }
0xa5: {  	[sflag:s0] =	ssyncset.done @!p0 $0x0;
	s2 =	sor.u32 @!p1 s2, s3  }
0xa6: {  	[sflag:s0] =	ssyncadd.s32 @!p0 $0xFFFFFD00;
	s7 =	simm.s32 @!p1 $0xA00;
	s2 =	sshrl.u32 @!p1 s2, $0x3  }
0xa7: {  	s3 =	simm.s32 @!p1 $0x400;
	s0 =	sadd.s32 @!p1 s5, s2;
	s2 =	simm.s32 @!p1 $0x80  }
0xa8: {  	[hbm4b:s0+s2] =	stream.strided.scatter @!p1 [tilespmem:s7], [sflag:$0x2], $0x300, s3, s2, $0x38;
	[tilespmem:$0xD00] =	vst v63  }
0xa9: {  	v53 =	vsel vm5, $0x0, v0;
	s0 =	simm.s32 @!p1 $0x2  }
0xaa: {  	v1 =	vxor.u32 $0x80000000, v53;
	_ =	swait.ge @!p1 [sflag:s0], $0x300  }
0xab: {  	(xrf0) =	vmax.scan.msk.u32 $0xffff, v1;
	_ =	sdelay $0x5  }
0xac: {  	v1, _, _ =	vpop (xrf0)  }
0xad: {  	(v2sf) =	vpush v1, $0xF;
	_ =	sdelay $0xc  }
0xae: {  	s7 =	smulhi.u32 $0x3531DEC1, s21;
	_ =	sdelay $0x1  }
0xaf: {  	s2 =	sshrl.u32 s7, $0x4;
	s28 =	spop (v2sf)  }
0xb0: {  	s7 =	smul.u32 $0x4D, s2;
	p0 =	sne.s32 s28, $0x80003039  }
0xb1: {  	s3 =	sadd.s32 @!p0 s8, s9  }
0xb2: {  	s7 =	ssub.s32 $0x5, s7;
	s28 =	sadd.s32 @!p0 $0x5, s3  }
0xb3: {  	s3 =	sadd.s32 @!p0 s7, s3;
	s28 =	smulhi.u32 @!p0 $0x3531DEC1, s28  }
0xb4: {  	s2 =	smul.u32 $0xFFFFD980, s2;
	s3 =	sshrl.u32 @!p0 s3, $0x3  }
0xb5: {  	s3 =	smul.u32 @!p0 $0x1800, s3;
	s28 =	sshrl.u32 @!p0 s28, $0x4  }
0xb6: {  	s2 =	sadd.s32 @!p0 s2, s10;
	s7 =	smul.u32 @!p0 $0xF000, s28  }
0xb7: {  	s2 =	sadd.s32 @!p0 $0xFFFFFB00, s2  }
0xb8: {  	s2 =	sand.u32 @!p0 $0x380, s2;
	s3 =	sadd.s32 @!p0 s7, s3  }
0xb9: {  	[sflag:s0] =	ssyncset.done @!p1 $0x0;
	s2 =	sor.u32 @!p0 s2, s3  }
0xba: {  	[sflag:s0] =	ssyncadd.s32 @!p1 $0xFFFFFD00;
	s7 =	simm.s32 @!p0 $0xA00;
	s2 =	sshrl.u32 @!p0 s2, $0x3  }
0xbb: {  	s3 =	simm.s32 @!p0 $0x400;
	s0 =	sadd.s32 @!p0 s5, s2;
	s2 =	simm.s32 @!p0 $0x80  }
0xbc: {  	[hbm4b:s0+s2] =	stream.strided.scatter @!p0 [tilespmem:s7], [sflag:$0x2], $0x300, s3, s2, $0x38;
	[tilespmem:$0xD00] =	vst v63  }
0xbd: {  	v54 =	vsel vm6, $0x0, v0;
	s0 =	simm.s32 @!p0 $0x2  }
0xbe: {  	v1 =	vxor.u32 $0x80000000, v54;
	_ =	swait.ge @!p0 [sflag:s0], $0x300  }
0xbf: {  	(xrf0) =	vmax.scan.msk.u32 $0xffff, v1;
	_ =	sdelay $0x5  }
0xc0: {  	v1, _, _ =	vpop (xrf0)  }
0xc1: {  	(v2sf) =	vpush v1, $0xF;
	_ =	sdelay $0xc  }
0xc2: {  	s7 =	smulhi.u32 $0x3531DEC1, s20;
	_ =	sdelay $0x1  }
0xc3: {  	s2 =	sshrl.u32 s7, $0x4;
	s28 =	spop (v2sf)  }
0xc4: {  	s7 =	smul.u32 $0x4D, s2;
	p1 =	sne.s32 s28, $0x80003039  }
0xc5: {  	s3 =	sadd.s32 @!p1 s8, s9  }
0xc6: {  	s7 =	ssub.s32 $0x6, s7;
	s28 =	sadd.s32 @!p1 $0x6, s3  }
0xc7: {  	s3 =	sadd.s32 @!p1 s7, s3;
	s28 =	smulhi.u32 @!p1 $0x3531DEC1, s28  }
0xc8: {  	s2 =	smul.u32 $0xFFFFD980, s2;
	s3 =	sshrl.u32 @!p1 s3, $0x3  }
0xc9: {  	s3 =	smul.u32 @!p1 $0x1800, s3;
	s28 =	sshrl.u32 @!p1 s28, $0x4  }
0xca: {  	s2 =	sadd.s32 @!p1 s2, s10;
	s7 =	smul.u32 @!p1 $0xF000, s28  }
0xcb: {  	s2 =	sadd.s32 @!p1 $0xFFFFFB80, s2  }
0xcc: {  	s2 =	sand.u32 @!p1 $0x380, s2;
	s3 =	sadd.s32 @!p1 s7, s3  }
0xcd: {  	[sflag:s0] =	ssyncset.done @!p0 $0x0;
	s2 =	sor.u32 @!p1 s2, s3  }
0xce: {  	[sflag:s0] =	ssyncadd.s32 @!p0 $0xFFFFFD00;
	s7 =	simm.s32 @!p1 $0xA00;
	s2 =	sshrl.u32 @!p1 s2, $0x3  }
0xcf: {  	s3 =	simm.s32 @!p1 $0x400;
	s0 =	sadd.s32 @!p1 s5, s2;
	s2 =	simm.s32 @!p1 $0x80  }
0xd0: {  	[hbm4b:s0+s2] =	stream.strided.scatter @!p1 [tilespmem:s7], [sflag:$0x2], $0x300, s3, s2, $0x38;
	[tilespmem:$0xD00] =	vst v63  }
0xd1: {  	v55 =	vsel vm7, $0x0, v0;
	s0 =	simm.s32 @!p1 $0x2  }
0xd2: {  	v1 =	vxor.u32 $0x80000000, v55;
	_ =	swait.ge @!p1 [sflag:s0], $0x300  }
0xd3: {  	(xrf0) =	vmax.scan.msk.u32 $0xffff, v1;
	_ =	sdelay $0x5  }
0xd4: {  	v1, _, _ =	vpop (xrf0)  }
0xd5: {  	(v2sf) =	vpush v1, $0xF;
	_ =	sdelay $0xc  }
0xd6: {  	s7 =	smulhi.u32 $0x3531DEC1, s19;
	_ =	sdelay $0x1  }
0xd7: {  	s2 =	sshrl.u32 s7, $0x4;
	s28 =	spop (v2sf)  }
0xd8: {  	s7 =	smul.u32 $0x4D, s2;
	p0 =	sne.s32 s28, $0x80003039  }
0xd9: {  	s3 =	sadd.s32 @!p0 s8, s9  }
0xda: {  	s7 =	ssub.s32 $0x7, s7;
	s28 =	sadd.s32 @!p0 $0x7, s3  }
0xdb: {  	s3 =	sadd.s32 @!p0 s7, s3;
	s28 =	smulhi.u32 @!p0 $0x3531DEC1, s28  }
0xdc: {  	s2 =	smul.u32 $0xFFFFD980, s2;
	s3 =	sshrl.u32 @!p0 s3, $0x3  }
0xdd: {  	s3 =	smul.u32 @!p0 $0x1800, s3;
	s28 =	sshrl.u32 @!p0 s28, $0x4  }
0xde: {  	s2 =	sadd.s32 @!p0 s2, s10;
	s7 =	smul.u32 @!p0 $0xF000, s28  }
0xdf: {  	s2 =	sadd.s32 @!p0 $0xFFFFFC00, s2  }
0xe0: {  	s2 =	sand.u32 @!p0 $0x380, s2;
	s3 =	sadd.s32 @!p0 s7, s3  }
0xe1: {  	[sflag:s0] =	ssyncset.done @!p1 $0x0;
	s2 =	sor.u32 @!p0 s2, s3  }
0xe2: {  	[sflag:s0] =	ssyncadd.s32 @!p1 $0xFFFFFD00;
	s7 =	simm.s32 @!p0 $0xA00;
	s2 =	sshrl.u32 @!p0 s2, $0x3  }
0xe3: {  	s3 =	simm.s32 @!p0 $0x400;
	s0 =	sadd.s32 @!p0 s5, s2;
	s2 =	simm.s32 @!p0 $0x80  }
0xe4: {  	[hbm4b:s0+s2] =	stream.strided.scatter @!p0 [tilespmem:s7], [sflag:$0x2], $0x300, s3, s2, $0x38;
	[tilespmem:$0xD00] =	vst v63  }
0xe5: {  	v56 =	vsel vm8, $0x0, v0;
	s0 =	simm.s32 @!p0 $0x2  }
0xe6: {  	v1 =	vxor.u32 $0x80000000, v56;
	_ =	swait.ge @!p0 [sflag:s0], $0x300  }
0xe7: {  	(xrf0) =	vmax.scan.msk.u32 $0xffff, v1;
	_ =	sdelay $0x5  }
0xe8: {  	v1, _, _ =	vpop (xrf0)  }
0xe9: {  	(v2sf) =	vpush v1, $0xF;
	_ =	sdelay $0xc  }
0xea: {  	s7 =	smulhi.u32 $0x3531DEC1, s18;
	_ =	sdelay $0x1  }
0xeb: {  	s2 =	sshrl.u32 s7, $0x4;
	s28 =	spop (v2sf)  }
0xec: {  	s2 =	smul.u32 $0x4D, s2;
	p1 =	sne.s32 s28, $0x80003039  }
0xed: {  	s3 =	sadd.s32 @!p1 s8, s9  }
0xee: {  	s2 =	ssub.s32 $0x8, s2;
	s7 =	sadd.s32 @!p1 $0x8, s3  }
0xef: {  	s2 =	sadd.s32 @!p1 s2, s3;
	s7 =	smulhi.u32 @!p1 $0x3531DEC1, s7  }
0xf0: {  	s2 =	sshrl.u32 @!p1 s2, $0x3  }
0xf1: {  	s2 =	smul.u32 @!p1 $0x1800, s2;
	s7 =	sshrl.u32 @!p1 s7, $0x4  }
0xf2: {  	s3 =	smul.u32 @!p1 $0xF000, s7  }
0xf3: {  	s7 =	smul.u32 @!p1 $0x180, s7;
	_ =	sdelay $0x1  }
0xf4: {  	s2 =	sadd.s32 @!p1 s3, s2;
	s3 =	sand.u32 @!p1 $0x380, s7  }
0xf5: {  	[sflag:s0] =	ssyncset.done @!p0 $0x0;
	s2 =	sor.u32 @!p1 s3, s2  }
0xf6: {  	[sflag:s0] =	ssyncadd.s32 @!p0 $0xFFFFFD00;
	s7 =	simm.s32 @!p1 $0xA00;
	s2 =	sshrl.u32 @!p1 s2, $0x3  }
0xf7: {  	s3 =	simm.s32 @!p1 $0x400;
	s0 =	sadd.s32 @!p1 s5, s2;
	s2 =	simm.s32 @!p1 $0x80  }
0xf8: {  	[hbm4b:s0+s2] =	stream.strided.scatter @!p1 [tilespmem:s7], [sflag:$0x2], $0x300, s3, s2, $0x38;
	[tilespmem:$0xD00] =	vst v63  }
0xf9: {  	v57 =	vsel vm9, $0x0, v0;
	s0 =	simm.s32 @!p1 $0x2  }
0xfa: {  	v1 =	vxor.u32 $0x80000000, v57;
	_ =	swait.ge @!p1 [sflag:s0], $0x300  }
0xfb: {  	(xrf0) =	vmax.scan.msk.u32 $0xffff, v1;
	_ =	sdelay $0x5  }
0xfc: {  	v1, _, _ =	vpop (xrf0)  }
0xfd: {  	(v2sf) =	vpush v1, $0xF;
	_ =	sdelay $0xc  }
0xfe: {  	s7 =	smulhi.u32 $0x3531DEC1, s17;
	_ =	sdelay $0x1  }
0xff: {  	s2 =	sshrl.u32 s7, $0x4;
	s28 =	spop (v2sf)  }
0x100: {  	s7 =	smul.u32 $0x4D, s2;
	p0 =	sne.s32 s28, $0x80003039  }
0x101: {  	s3 =	sadd.s32 @!p0 s8, s9  }
0x102: {  	s7 =	ssub.s32 $0x9, s7;
	s28 =	sadd.s32 @!p0 $0x9, s3  }
0x103: {  	s3 =	sadd.s32 @!p0 s7, s3;
	s28 =	smulhi.u32 @!p0 $0x3531DEC1, s28  }
0x104: {  	s2 =	smul.u32 $0xFFFFD980, s2;
	s3 =	sshrl.u32 @!p0 s3, $0x3  }
0x105: {  	s3 =	smul.u32 @!p0 $0x1800, s3;
	s28 =	sshrl.u32 @!p0 s28, $0x4  }
0x106: {  	s2 =	sadd.s32 @!p0 s2, s10;
	s7 =	smul.u32 @!p0 $0xF000, s28  }
0x107: {  	s2 =	sadd.s32 @!p0 $0xFFFFFD00, s2  }
0x108: {  	s2 =	sand.u32 @!p0 $0x380, s2;
	s3 =	sadd.s32 @!p0 s7, s3  }
0x109: {  	[sflag:s0] =	ssyncset.done @!p1 $0x0;
	s2 =	sor.u32 @!p0 s2, s3  }
0x10a: {  	[sflag:s0] =	ssyncadd.s32 @!p1 $0xFFFFFD00;
	s7 =	simm.s32 @!p0 $0xA00;
	s2 =	sshrl.u32 @!p0 s2, $0x3  }
0x10b: {  	s3 =	simm.s32 @!p0 $0x400;
	s0 =	sadd.s32 @!p0 s5, s2;
	s2 =	simm.s32 @!p0 $0x80  }
0x10c: {  	[hbm4b:s0+s2] =	stream.strided.scatter @!p0 [tilespmem:s7], [sflag:$0x2], $0x300, s3, s2, $0x38;
	[tilespmem:$0xD00] =	vst v63  }
0x10d: {  	v58 =	vsel vm10, $0x0, v0;
	s0 =	simm.s32 @!p0 $0x2  }
0x10e: {  	v1 =	vxor.u32 $0x80000000, v58;
	_ =	swait.ge @!p0 [sflag:s0], $0x300  }
0x10f: {  	(xrf0) =	vmax.scan.msk.u32 $0xffff, v1;
	_ =	sdelay $0x5  }
0x110: {  	v1, _, _ =	vpop (xrf0)  }
0x111: {  	(v2sf) =	vpush v1, $0xF;
	_ =	sdelay $0xc  }
0x112: {  	s7 =	smulhi.u32 $0x3531DEC1, s16;
	_ =	sdelay $0x1  }
0x113: {  	s2 =	sshrl.u32 s7, $0x4;
	s28 =	spop (v2sf)  }
0x114: {  	s7 =	smul.u32 $0x4D, s2;
	p1 =	sne.s32 s28, $0x80003039  }
0x115: {  	s3 =	sadd.s32 @!p1 s8, s9  }
0x116: {  	s7 =	ssub.s32 $0xA, s7;
	s28 =	sadd.s32 @!p1 $0xA, s3  }
0x117: {  	s3 =	sadd.s32 @!p1 s7, s3;
	s28 =	smulhi.u32 @!p1 $0x3531DEC1, s28  }
0x118: {  	s2 =	smul.u32 $0xFFFFD980, s2;
	s3 =	sshrl.u32 @!p1 s3, $0x3  }
0x119: {  	s3 =	smul.u32 @!p1 $0x1800, s3;
	s28 =	sshrl.u32 @!p1 s28, $0x4  }
0x11a: {  	s2 =	sadd.s32 @!p1 s2, s10;
	s7 =	smul.u32 @!p1 $0xF000, s28  }
0x11b: {  	s2 =	sadd.s32 @!p1 $0xFFFFFD80, s2  }
0x11c: {  	s2 =	sand.u32 @!p1 $0x380, s2;
	s3 =	sadd.s32 @!p1 s7, s3  }
0x11d: {  	[sflag:s0] =	ssyncset.done @!p0 $0x0;
	s2 =	sor.u32 @!p1 s2, s3  }
0x11e: {  	[sflag:s0] =	ssyncadd.s32 @!p0 $0xFFFFFD00;
	s7 =	simm.s32 @!p1 $0xA00;
	s2 =	sshrl.u32 @!p1 s2, $0x3  }
0x11f: {  	s3 =	simm.s32 @!p1 $0x400;
	s0 =	sadd.s32 @!p1 s5, s2;
	s2 =	simm.s32 @!p1 $0x80  }
0x120: {  	[hbm4b:s0+s2] =	stream.strided.scatter @!p1 [tilespmem:s7], [sflag:$0x2], $0x300, s3, s2, $0x38;
	[tilespmem:$0xD00] =	vst v63  }
0x121: {  	v59 =	vsel vm11, $0x0, v0;
	s0 =	simm.s32 @!p1 $0x2  }
0x122: {  	v1 =	vxor.u32 $0x80000000, v59;
	_ =	swait.ge @!p1 [sflag:s0], $0x300  }
0x123: {  	(xrf0) =	vmax.scan.msk.u32 $0xffff, v1;
	_ =	sdelay $0x5  }
0x124: {  	v1, _, _ =	vpop (xrf0)  }
0x125: {  	(v2sf) =	vpush v1, $0xF;
	_ =	sdelay $0xc  }
0x126: {  	s7 =	smulhi.u32 $0x3531DEC1, s15;
	_ =	sdelay $0x1  }
0x127: {  	s2 =	sshrl.u32 s7, $0x4;
	s28 =	spop (v2sf)  }
0x128: {  	s7 =	smul.u32 $0x4D, s2;
	p0 =	sne.s32 s28, $0x80003039  }
0x129: {  	s3 =	sadd.s32 @!p0 s8, s9  }
0x12a: {  	s7 =	ssub.s32 $0xB, s7;
	s28 =	sadd.s32 @!p0 $0xB, s3  }
0x12b: {  	s3 =	sadd.s32 @!p0 s7, s3;
	s28 =	smulhi.u32 @!p0 $0x3531DEC1, s28  }
0x12c: {  	s2 =	smul.u32 $0xFFFFD980, s2;
	s3 =	sshrl.u32 @!p0 s3, $0x3  }
0x12d: {  	s3 =	smul.u32 @!p0 $0x1800, s3;
	s28 =	sshrl.u32 @!p0 s28, $0x4  }
0x12e: {  	s2 =	sadd.s32 @!p0 s2, s10;
	s7 =	smul.u32 @!p0 $0xF000, s28  }
0x12f: {  	s2 =	sadd.s32 @!p0 $0xFFFFFE00, s2  }
0x130: {  	s2 =	sand.u32 @!p0 $0x380, s2;
	s3 =	sadd.s32 @!p0 s7, s3  }
0x131: {  	[sflag:s0] =	ssyncset.done @!p1 $0x0;
	s2 =	sor.u32 @!p0 s2, s3  }
0x132: {  	[sflag:s0] =	ssyncadd.s32 @!p1 $0xFFFFFD00;
	s7 =	simm.s32 @!p0 $0xA00;
	s2 =	sshrl.u32 @!p0 s2, $0x3  }
0x133: {  	s3 =	simm.s32 @!p0 $0x400;
	s0 =	sadd.s32 @!p0 s5, s2;
	s2 =	simm.s32 @!p0 $0x80  }
0x134: {  	[hbm4b:s0+s2] =	stream.strided.scatter @!p0 [tilespmem:s7], [sflag:$0x2], $0x300, s3, s2, $0x38;
	[tilespmem:$0xD00] =	vst v63  }
0x135: {  	v60 =	vsel vm12, $0x0, v0;
	s0 =	simm.s32 @!p0 $0x2  }
0x136: {  	v1 =	vxor.u32 $0x80000000, v60;
	_ =	swait.ge @!p0 [sflag:s0], $0x300  }
0x137: {  	(xrf0) =	vmax.scan.msk.u32 $0xffff, v1;
	_ =	sdelay $0x5  }
0x138: {  	v1, _, _ =	vpop (xrf0)  }
0x139: {  	(v2sf) =	vpush v1, $0xF;
	_ =	sdelay $0xc  }
0x13a: {  	s7 =	smulhi.u32 $0x3531DEC1, s14;
	_ =	sdelay $0x1  }
0x13b: {  	s2 =	sshrl.u32 s7, $0x4;
	s28 =	spop (v2sf)  }
0x13c: {  	s7 =	smul.u32 $0x4D, s2;
	p1 =	sne.s32 s28, $0x80003039  }
0x13d: {  	s3 =	sadd.s32 @!p1 s8, s9  }
0x13e: {  	s7 =	ssub.s32 $0xC, s7;
	s28 =	sadd.s32 @!p1 $0xC, s3  }
0x13f: {  	s3 =	sadd.s32 @!p1 s7, s3;
	s28 =	smulhi.u32 @!p1 $0x3531DEC1, s28  }
0x140: {  	s2 =	smul.u32 $0xFFFFD980, s2;
	s3 =	sshrl.u32 @!p1 s3, $0x3  }
0x141: {  	s3 =	smul.u32 @!p1 $0x1800, s3;
	s28 =	sshrl.u32 @!p1 s28, $0x4  }
0x142: {  	s2 =	sadd.s32 @!p1 s2, s10;
	s7 =	smul.u32 @!p1 $0xF000, s28  }
0x143: {  	s2 =	sadd.s32 @!p1 $0xFFFFFE80, s2  }
0x144: {  	s2 =	sand.u32 @!p1 $0x380, s2;
	s3 =	sadd.s32 @!p1 s7, s3  }
0x145: {  	[sflag:s0] =	ssyncset.done @!p0 $0x0;
	s2 =	sor.u32 @!p1 s2, s3  }
0x146: {  	[sflag:s0] =	ssyncadd.s32 @!p0 $0xFFFFFD00;
	s7 =	simm.s32 @!p1 $0xA00;
	s2 =	sshrl.u32 @!p1 s2, $0x3  }
0x147: {  	s3 =	simm.s32 @!p1 $0x400;
	s0 =	sadd.s32 @!p1 s5, s2;
	s2 =	simm.s32 @!p1 $0x80  }
0x148: {  	[hbm4b:s0+s2] =	stream.strided.scatter @!p1 [tilespmem:s7], [sflag:$0x2], $0x300, s3, s2, $0x38;
	[tilespmem:$0xD00] =	vst v63  }
0x149: {  	v61 =	vsel vm13, $0x0, v0;
	s0 =	simm.s32 @!p1 $0x2  }
0x14a: {  	v1 =	vxor.u32 $0x80000000, v61;
	_ =	swait.ge @!p1 [sflag:s0], $0x300  }
0x14b: {  	(xrf0) =	vmax.scan.msk.u32 $0xffff, v1;
	_ =	sdelay $0x5  }
0x14c: {  	v1, _, _ =	vpop (xrf0)  }
0x14d: {  	(v2sf) =	vpush v1, $0xF;
	_ =	sdelay $0xc  }
0x14e: {  	s7 =	smulhi.u32 $0x3531DEC1, s13;
	_ =	sdelay $0x1  }
0x14f: {  	s2 =	sshrl.u32 s7, $0x4;
	s28 =	spop (v2sf)  }
0x150: {  	s7 =	smul.u32 $0x4D, s2;
	p0 =	sne.s32 s28, $0x80003039  }
0x151: {  	s3 =	sadd.s32 @!p0 s8, s9  }
0x152: {  	s7 =	ssub.s32 $0xD, s7;
	s28 =	sadd.s32 @!p0 $0xD, s3  }
0x153: {  	s3 =	sadd.s32 @!p0 s7, s3;
	s28 =	smulhi.u32 @!p0 $0x3531DEC1, s28  }
0x154: {  	s2 =	smul.u32 $0xFFFFD980, s2;
	s3 =	sshrl.u32 @!p0 s3, $0x3  }
0x155: {  	s3 =	smul.u32 @!p0 $0x1800, s3;
	s28 =	sshrl.u32 @!p0 s28, $0x4  }
0x156: {  	s2 =	sadd.s32 @!p0 s2, s10;
	s7 =	smul.u32 @!p0 $0xF000, s28  }
0x157: {  	s2 =	sadd.s32 @!p0 $0xFFFFFF00, s2  }
0x158: {  	s2 =	sand.u32 @!p0 $0x380, s2;
	s3 =	sadd.s32 @!p0 s7, s3  }
0x159: {  	[sflag:s0] =	ssyncset.done @!p1 $0x0;
	s2 =	sor.u32 @!p0 s2, s3  }
0x15a: {  	[sflag:s0] =	ssyncadd.s32 @!p1 $0xFFFFFD00;
	s7 =	simm.s32 @!p0 $0xA00;
	s2 =	sshrl.u32 @!p0 s2, $0x3  }
0x15b: {  	s3 =	simm.s32 @!p0 $0x400;
	s0 =	sadd.s32 @!p0 s5, s2;
	s2 =	simm.s32 @!p0 $0x80  }
0x15c: {  	[hbm4b:s0+s2] =	stream.strided.scatter @!p0 [tilespmem:s7], [sflag:$0x2], $0x300, s3, s2, $0x38;
	[tilespmem:$0xD00] =	vst v63  }
0x15d: {  	v62 =	vsel vm14, $0x0, v0;
	s0 =	simm.s32 @!p0 $0x2  }
0x15e: {  	v1 =	vxor.u32 $0x80000000, v62;
	_ =	swait.ge @!p0 [sflag:s0], $0x300  }
0x15f: {  	(xrf0) =	vmax.scan.msk.u32 $0xffff, v1;
	_ =	sdelay $0x5  }
0x160: {  	v1, _, _ =	vpop (xrf0)  }
0x161: {  	(v2sf) =	vpush v1, $0xF;
	_ =	sdelay $0xc  }
0x162: {  	s7 =	smulhi.u32 $0x3531DEC1, s12;
	_ =	sdelay $0x1  }
0x163: {  	s2 =	sshrl.u32 s7, $0x4;
	s28 =	spop (v2sf)  }
0x164: {  	s7 =	smul.u32 $0x4D, s2;
	p1 =	sne.s32 s28, $0x80003039  }
0x165: {  	s3 =	sadd.s32 @!p1 s8, s9  }
0x166: {  	s7 =	ssub.s32 $0xE, s7;
	s28 =	sadd.s32 @!p1 $0xE, s3  }
0x167: {  	s3 =	sadd.s32 @!p1 s7, s3;
	s28 =	smulhi.u32 @!p1 $0x3531DEC1, s28  }
0x168: {  	s2 =	smul.u32 $0xFFFFD980, s2;
	s3 =	sshrl.u32 @!p1 s3, $0x3  }
0x169: {  	s3 =	smul.u32 @!p1 $0x1800, s3;
	s28 =	sshrl.u32 @!p1 s28, $0x4  }
0x16a: {  	s2 =	sadd.s32 @!p1 s2, s10;
	s7 =	smul.u32 @!p1 $0xF000, s28  }
0x16b: {  	s2 =	sadd.s32 @!p1 $0xFFFFFF80, s2  }
0x16c: {  	s2 =	sand.u32 @!p1 $0x380, s2;
	s3 =	sadd.s32 @!p1 s7, s3  }
0x16d: {  	[sflag:s0] =	ssyncset.done @!p0 $0x0;
	s2 =	sor.u32 @!p1 s2, s3  }
0x16e: {  	[sflag:s0] =	ssyncadd.s32 @!p0 $0xFFFFFD00;
	s7 =	simm.s32 @!p1 $0xA00;
	s2 =	sshrl.u32 @!p1 s2, $0x3  }
0x16f: {  	s3 =	simm.s32 @!p1 $0x400;
	s0 =	sadd.s32 @!p1 s5, s2;
	s2 =	simm.s32 @!p1 $0x80  }
0x170: {  	[hbm4b:s0+s2] =	stream.strided.scatter @!p1 [tilespmem:s7], [sflag:$0x2], $0x300, s3, s2, $0x38;
	[tilespmem:$0xD00] =	vst v63  }
0x171: {  	v63 =	vsel vm15, $0x0, v0;
	s0 =	simm.s32 @!p1 $0x2  }
0x172: {  	v0 =	vxor.u32 $0x80000000, v63;
	_ =	swait.ge @!p1 [sflag:s0], $0x300  }
0x173: {  	(xrf0) =	vmax.scan.msk.u32 $0xffff, v0;
	_ =	sdelay $0x5  }
0x174: {  	v0, _, _ =	vpop (xrf0)  }
0x175: {  	(v2sf) =	vpush v0, $0xF;
	_ =	sdelay $0xc  }
0x176: {  	s7 =	smulhi.u32 $0x3531DEC1, s11;
	_ =	sdelay $0x1  }
0x177: {  	s2 =	sshrl.u32 s7, $0x4;
	s28 =	spop (v2sf)  }
0x178: {  	s7 =	smul.u32 $0x4D, s2;
	p0 =	sne.s32 s28, $0x80003039  }
0x179: {  	s3 =	sadd.s32 @!p0 s8, s9  }
0x17a: {  	s7 =	ssub.s32 $0xF, s7;
	s28 =	sadd.s32 @!p0 $0xF, s3  }
0x17b: {  	s3 =	sadd.s32 @!p0 s7, s3;
	s28 =	smulhi.u32 @!p0 $0x3531DEC1, s28  }
0x17c: {  	s2 =	smul.u32 $0xFFFFD980, s2;
	s3 =	sshrl.u32 @!p0 s3, $0x3  }
0x17d: {  	s3 =	smul.u32 @!p0 $0x1800, s3;
	s7 =	sshrl.u32 @!p0 s28, $0x4  }
0x17e: {  	s7 =	smul.u32 @!p0 $0xF000, s7  }
0x17f: {  	s2 =	sadd.s32 @!p0 s2, s10  }
0x180: {  	s2 =	sand.u32 @!p0 $0x380, s2;
	s3 =	sadd.s32 @!p0 s7, s3  }
0x181: {  	[sflag:s0] =	ssyncset.done @!p1 $0x0;
	s2 =	sor.u32 @!p0 s2, s3  }
0x182: {  	[sflag:s0] =	ssyncadd.s32 @!p1 $0xFFFFFD00;
	s7 =	simm.s32 @!p0 $0xA00;
	s2 =	sshrl.u32 @!p0 s2, $0x3  }
0x183: {  	s3 =	simm.s32 @!p0 $0x400;
	s0 =	sadd.s32 @!p0 s5, s2;
	s2 =	simm.s32 @!p0 $0x80  }
0x184: {  	[hbm4b:s0+s2] =	stream.strided.scatter @!p0 [tilespmem:s7], [sflag:$0x1], $0x300, s3, s2, $0x38;
	[tilespmem:$0xD00] =	vst v63  }
.Ltmp5:
0x185: {  	_ = 	snop;
	(pc) =	sbr.rel .LBB2_4-.Ltmp5, $4  }
0x186: {  	s0 =	simm.s32 @!p0 $0x1  }
0x187: {  	_ =	swait.ge @!p0 [sflag:s0], $0x300  }
0x188: {  	[sflag:s0] =	ssyncset.done @!p0 $0x0  }
0x189: {  	[sflag:s0] =	ssyncadd.s32 @!p0 $0xFFFFFD00  }
.LBB2_6:
0x18a: {  	_ =	sfence.sel $0x180000  }
0x18b: {  	[bflag:$0x0] =	sbarrier.arrive $0xFFFF  }
0x18c: {  	_ =	strace $0x90000047  }
0x18d: {  	s0 =	stileid.u32;
	[bflag:$0x2] =	sbarrier.arrive $0xFFFF  }
0x18e: {  	p0 =	sne.s32 s0, $0x0;
	s0 =	rddreg [dreg:$0x3]  }
0x18f: {  	s0 =	sadd.s32 @!p0 $0x100000, s0  }
0x190: {  	[sflag:s0] =	ssyncadd.tile.s32 @!p0 $0x1;
	_ =	shalt  }
.Lfunc_end2:
_tile_overlayer_lowered:
.L_overlay_start_2:
0x191: {  	(tag) =	ssettag $0x2  }
0x192: {  	s0 =	rddreg [dreg:$0x0];
	s2 =	stileid.u32  }
0x193: {  	s1 =	rddreg [dreg:$0x1];
	p0 =	sne.s32 s2, $0x0  }
0x194: {  	s3 =	rddreg [dreg:$0x2];
	[bflag:$0x3] =	sbarrier.arrive $0xFFFF;
	s2 =	simm.s32 @!p0 $0x1C01  }
0x195: {  	[timem:s3], [sflag:s2] =	dma.local @!p0 [hbm:s0], s1  }
0x196: {  	s0 =	simm.s32 @!p0 $0x1  }
0x197: {  	_ =	swait.ge @!p0 [sflag:s0], s1  }
0x198: {  	s1 =	ssub.s32 @!p0 $0x0, s1;
	[sflag:s0] =	ssyncset.done @!p0 $0x0  }
0x199: {  	[sflag:s0] =	ssyncadd.s32 @!p0 s1  }
0x19a: {  	[bflag:$0x3] =	sbarrier.arrive $0xFFFF  }
0x19b: {  	_ =	shalt  }

</sc_bundles>
